<compile_context>
chip_gen: v7x
topology: tpu7x:2x2x1
jax: 0.10.2.dev20260603
libtpu: 0.0.44.dev20260713+nightly
codegen_flags: <defaults>
</compile_context>

<pallas_src>
import functools

import jax
import jax.numpy as jnp
from jax import lax
from jax.experimental import pallas as pl
from jax.experimental.pallas import tpu as pltpu
from jax.experimental.pallas import tpu_sc as plsc

NB = 4
TOP_K = 2
_LANES = 16
_N_WORKERS = 32


def _router_partials_body(x_hbm, wgt_hbm, pacc_hbm, xrow_v, wgt_v, pacc_v,
                          sem):
    wid = lax.axis_index("s") * 2 + lax.axis_index("c")
    n_tok_per = x_hbm.shape[0] // _N_WORKERS
    d = x_hbm.shape[1]
    n_e = wgt_hbm.shape[0]
    base = wid * n_tok_per
    pltpu.sync_copy(wgt_hbm, wgt_v)
    pltpu.async_copy(x_hbm.at[pl.ds(base, n_tok_per)], xrow_v, sem).wait()

    @pl.loop(0, n_tok_per)
    def _token(t):
        for e in range(n_e):
            def _step(k, a, e=e):
                xv = xrow_v.at[t, pl.ds(k * _LANES, _LANES)][...]
                wv = wgt_v.at[e, pl.ds(k * _LANES, _LANES)][...]
                return a + xv * wv

            acc = lax.fori_loop(0, d // _LANES, _step,
                                jnp.zeros((_LANES,), dtype=jnp.float32))
            pacc_v.at[t, e][...] = acc

    pltpu.sync_copy(pacc_v, pacc_hbm.at[pl.ds(base, n_tok_per)])


def _sc_router_partials(x, wgt):
    m, d = x.shape
    n_e = wgt.shape[0]
    mesh = plsc.VectorSubcoreMesh(core_axis_name="c", subcore_axis_name="s")
    krn = functools.partial(
        pl.kernel,
        mesh=mesh,
        out_type=jax.ShapeDtypeStruct((m, n_e, _LANES), jnp.float32),
        scratch_types=[
            pltpu.VMEM((m // _N_WORKERS, d), jnp.float32),
            pltpu.VMEM((n_e, d), jnp.float32),
            pltpu.VMEM((m // _N_WORKERS, n_e, _LANES), jnp.float32),
            pltpu.SemaphoreType.DMA,
        ],
    )(_router_partials_body)
    return krn(x, wgt)


def _moe_body(x_ref, pacc_ref, w1_ref, w3_ref, w2_ref, out_ref, route_ref,
              a_ref):
    e = pl.program_id(0)
    nb = pl.program_id(1)
    n_e = route_ref.shape[1]
    f = a_ref.shape[2]
    f_blk = f // NB
    d_blk = out_ref.shape[1] // NB

    @pl.when(jnp.logical_and(e == 0, nb == 0))
    def _init():
        logits = jnp.sum(pacc_ref[...], axis=2)
        mx = jnp.max(logits, axis=-1, keepdims=True)
        pr = jnp.exp(logits - mx)
        pr = pr / jnp.sum(pr, axis=-1, keepdims=True)
        ecols = jax.lax.broadcasted_iota(jnp.int32, pr.shape, 1)
        m1 = jnp.max(pr, axis=-1, keepdims=True)
        i1 = jnp.argmax(pr, axis=-1)[:, None]
        masked = jnp.where(ecols == i1, -jnp.inf, pr)
        m2 = jnp.max(masked, axis=-1, keepdims=True)
        i2 = jnp.argmax(masked, axis=-1)[:, None]
        s = m1 + m2
        route_ref[...] = jnp.where(
            ecols == i1, m1 / s, jnp.where(ecols == i2, m2 / s, 0.0))
        out_ref[...] = jnp.zeros_like(out_ref)

    @pl.when(e < n_e)
    def _up_proj():
        xv = x_ref[...]
        g = jax.lax.dot_general(
            xv, w1_ref[0], (((1,), (1,)), ((), ())),
            preferred_element_type=jnp.float32)
        u = jax.lax.dot_general(
            xv, w3_ref[0], (((1,), (1,)), ((), ())),
            preferred_element_type=jnp.float32)
        ecols = jax.lax.broadcasted_iota(jnp.int32, route_ref.shape, 1)
        rw = jnp.sum(jnp.where(ecols == e, route_ref[...], 0.0), axis=1,
                     keepdims=True)
        a_ref[e % 2, :, pl.ds(nb * f_blk, f_blk)] = (
            (g * jax.lax.logistic(g)) * u * rw)

    @pl.when(e > 0)
    def _down_proj():
        a_prev = a_ref[(e - 1) % 2]
        y = jax.lax.dot_general(
            a_prev, w2_ref[0], (((1,), (1,)), ((), ())),
            preferred_element_type=jnp.float32)
        out_ref[:, pl.ds(nb * d_blk, d_blk)] += y


def _tc_moe(x, pacc, w1, w3, w2):
    m, d = x.shape
    e_num = pacc.shape[1]
    f = w1.shape[1]
    f_blk = f // NB
    d_blk = d // NB
    return pl.pallas_call(
        _moe_body,
        grid=(e_num + 1, NB),
        in_specs=[
            pl.BlockSpec((m, d), lambda e, nb: (0, 0)),
            pl.BlockSpec((m, e_num, _LANES), lambda e, nb: (0, 0, 0)),
            pl.BlockSpec(
                (1, f_blk, d),
                lambda e, nb: (jnp.minimum(e, e_num - 1),
                               jnp.where(e < e_num, nb, NB - 1), 0)),
            pl.BlockSpec(
                (1, f_blk, d),
                lambda e, nb: (jnp.minimum(e, e_num - 1),
                               jnp.where(e < e_num, nb, NB - 1), 0)),
            pl.BlockSpec(
                (1, d_blk, f),
                lambda e, nb: (jnp.maximum(e - 1, 0),
                               jnp.where(e == 0, 0, nb), 0)),
        ],
        out_specs=pl.BlockSpec((m, d), lambda e, nb: (0, 0)),
        out_shape=jax.ShapeDtypeStruct((m, d), x.dtype),
        scratch_shapes=[
            pltpu.VMEM((m, e_num), jnp.float32),
            pltpu.VMEM((2, m, f), jnp.float32),
        ],
    )(x, pacc, w1, w3, w2)


@jax.jit
def kernel(x, Wg, w1, w3, w2):
    pacc = _sc_router_partials(x, Wg.T)
    return _tc_moe(x, pacc, w1, w3, w2)

# --- scband reference (transcript-rebuilt; emitter-appended) ---
"""Pipeline reference for scband-fused-mo-e-28948079575450 (READ-ONLY COPY).

The authoritative reference and input builder live on the scoring server;
editing this copy changes nothing except your own understanding.
"""

import jax, jax.numpy as jnp
import numpy as np

M, D, F, E, TOP_K = 64, 1024, 4096, 8, 2

def setup_inputs(seed: int = 0) -> dict:
    key = jax.random.key(seed)
    ks = jax.random.split(key, 5)
    x = jax.random.normal(ks[0], (M, D), dtype=jnp.float32)
    Wg = jax.random.normal(ks[1], (D, E), dtype=jnp.float32) * 0.02
    w1 = jax.random.normal(ks[2], (E, F, D), dtype=jnp.float32) * 0.02
    w3 = jax.random.normal(ks[3], (E, F, D), dtype=jnp.float32) * 0.02
    w2 = jax.random.normal(ks[4], (E, D, F), dtype=jnp.float32) * 0.02
    return {"x": x, "Wg": Wg, "w1": w1, "w3": w3, "w2": w2}

def reference(x, Wg, w1, w3, w2):
    # Router: softmax over experts, pick top_k, renormalize routed weights
    logits = x @ Wg                                   # [M, E]
    probs = jax.nn.softmax(logits, axis=-1)
    topw, topi = jax.lax.top_k(probs, TOP_K)          # [M, top_k]
    topw = topw / jnp.sum(topw, axis=-1, keepdims=True)
    # Dense routing-weight matrix [M, E] (scatter of topk weights)
    route = jnp.sum(jax.nn.one_hot(topi, E, dtype=x.dtype) * topw[..., None], axis=1)
    # Fused expert MLP (SwiGLU): per-expert gemv over all tokens, then
    # weighted sum by routed weights (equivalent to the triton fused kernel's
    # per-token expert GEMV + MUL_ROUTED_WEIGHT accumulation).
    g = jnp.einsum('md,efd->mef', x, w1)              # [M, E, F]
    u = jnp.einsum('md,efd->mef', x, w3)              # [M, E, F]
    a = jax.nn.silu(g) * u                            # [M, E, F]
    y = jnp.einsum('mef,edf->med', a, w2)             # [M, E, D]
    out = jnp.einsum('me,med->md', route, y)          # [M, D]
    return out

if __name__ == "__main__":
    import jax
    _d = setup_inputs()
    print(jax.jit(kernel)(*tuple(_d.values())))

</pallas_src>

<mosaic_0001>
#map = affine_map<(d0, d1) -> (0, 0)>
#map1 = affine_map<(d0, d1) -> (0, 0, 0)>
module attributes {stable_mosaic.version = 14 : i64} {
  func.func @_router_partials_body(%arg0: i32, %arg1: i32, %arg2: memref<64x1024xf32, #tpu.memory_space<hbm>>, %arg3: memref<8x1024xf32, #tpu.memory_space<hbm>>, %arg4: memref<64x8x16xf32, #tpu.memory_space<hbm>>, %arg5: memref<2x1024xf32, #tpu.memory_space<vmem>>, %arg6: memref<8x1024xf32, #tpu.memory_space<vmem>>, %arg7: memref<2x8x16xf32, #tpu.memory_space<vmem>>, %arg8: memref<!tpu.dma_semaphore, #tpu.memory_space<semaphore_mem>>) attributes {dimension_semantics = [#tpu.dimension_semantics<core_parallel>, #tpu.dimension_semantics<subcore_parallel>], iteration_bounds = array<i64: 2, 16>, scalar_prefetch = 0 : i64, scratch_operands = 4 : i64, tpu.core_type = #tpu.core_type<sc_vector_subcore>, window_params = [{transform_indices = #map}, {transform_indices = #map}, {transform_indices = #map1}]} {
    %mul3A = arith.constant 2 : i32
    %mul3A_0 = arith.muli %arg1, %mul3A : i32
    %add3A = arith.addi %mul3A_0, %arg0 : i32
    %mul3A_1 = arith.constant 2 : i32
    %mul3A_2 = arith.muli %add3A, %mul3A_1 : i32
    "tpu.region"() ({
      %run_scoped3A = tpu.sem_alloc : memref<!tpu.dma_semaphore, #tpu.memory_space<semaphore_mem>>
      tpu.enqueue_dma source(%arg3 : memref<8x1024xf32, #tpu.memory_space<hbm>>) target(%arg6 : memref<8x1024xf32, #tpu.memory_space<vmem>>) target_semaphore(%run_scoped3A : memref<!tpu.dma_semaphore, #tpu.memory_space<semaphore_mem>>)
      tpu.wait_dma2 semaphore(%run_scoped3A : memref<!tpu.dma_semaphore, #tpu.memory_space<semaphore_mem>>) src(%arg3 : memref<8x1024xf32, #tpu.memory_space<hbm>>) dst(%arg6 : memref<8x1024xf32, #tpu.memory_space<vmem>>)
      tpu.yield
    }) : () -> ()
    %dma_start3A = arith.constant 0 : i32
    %dma_start3A_3 = tpu.memref_slice %arg2[%mul3A_2, %dma_start3A] : memref<64x1024xf32, #tpu.memory_space<hbm>> -> memref<2x1024xf32, #tpu.memory_space<hbm>>
    %dma_start3A_4 = arith.constant 0 : i32
    %dma_start3A_5 = tpu.memref_slice %arg2[%mul3A_2, %dma_start3A_4] : memref<64x1024xf32, #tpu.memory_space<hbm>> -> memref<2x1024xf32, #tpu.memory_space<hbm>>
    tpu.enqueue_dma source(%dma_start3A_5 : memref<2x1024xf32, #tpu.memory_space<hbm>>) target(%arg5 : memref<2x1024xf32, #tpu.memory_space<vmem>>) target_semaphore(%arg8 : memref<!tpu.dma_semaphore, #tpu.memory_space<semaphore_mem>>)
    %dma_wait3A = arith.constant 0 : i32
    %dma_wait3A_6 = tpu.memref_slice %arg2[%mul3A_2, %dma_wait3A] : memref<64x1024xf32, #tpu.memory_space<hbm>> -> memref<2x1024xf32, #tpu.memory_space<hbm>>
    %dma_wait3A_7 = arith.constant 0 : i32
    %dma_wait3A_8 = tpu.memref_slice %arg2[%mul3A_2, %dma_wait3A_7] : memref<64x1024xf32, #tpu.memory_space<hbm>> -> memref<2x1024xf32, #tpu.memory_space<hbm>>
    tpu.wait_dma2 semaphore(%arg8 : memref<!tpu.dma_semaphore, #tpu.memory_space<semaphore_mem>>) src(%dma_wait3A_8 : memref<2x1024xf32, #tpu.memory_space<hbm>>) dst(%arg5 : memref<2x1024xf32, #tpu.memory_space<vmem>>)
    %scan3A = arith.constant 0 : i32
    %scan3A_9 = arith.constant 2 : i32
    %scan3A_10 = arith.addi %scan3A, %scan3A_9 : i32
    %scan3A_11 = arith.constant 1 : i32
    scf.for %scan3A_13 = %scan3A to %scan3A_10 step %scan3A_11  : i32 {
      %mul3A_14 = arith.constant 1 : i32
      %mul3A_15 = arith.muli %scan3A_13, %mul3A_14 : i32
      %add3A_16 = arith.constant 0 : i32
      %add3A_17 = arith.addi %add3A_16, %mul3A_15 : i32
      %broadcast_in_dim3A = arith.constant 0.000000e+00 : f32
      %broadcast_in_dim3A_18 = vector.broadcast %broadcast_in_dim3A : f32 to vector<16xf32>
      %scan3A_19 = arith.constant 0 : i32
      %scan3A_20 = arith.constant 64 : i32
      %scan3A_21 = arith.addi %scan3A_19, %scan3A_20 : i32
      %scan3A_22 = arith.constant 1 : i32
      %scan3A_23 = scf.for %scan3A_136 = %scan3A_19 to %scan3A_21 step %scan3A_22 iter_args(%scan3A_137 = %broadcast_in_dim3A_18) -> (vector<16xf32>)  : i32 {
        %mul3A_138 = arith.constant 16 : i32
        %mul3A_139 = arith.muli %scan3A_136, %mul3A_138 : i32
        %get3A = arith.index_cast %add3A_17 : i32 to index
        %get3A_140 = arith.index_cast %mul3A_139 : i32 to index
        %get3A_141 = tpu.vector_load %arg5[%get3A, %get3A_140] {strides = array<i32>} : memref<2x1024xf32, #tpu.memory_space<vmem>>, vector<1x16xf32>,
        %get3A_142 = vector.shape_cast %get3A_141 : vector<1x16xf32> to vector<16xf32>
        %mul3A_143 = arith.constant 16 : i32
        %mul3A_144 = arith.muli %scan3A_136, %mul3A_143 : i32
        %get3A_145 = arith.constant 0 : i32
        %get3A_146 = arith.index_cast %get3A_145 : i32 to index
        %get3A_147 = arith.index_cast %mul3A_144 : i32 to index
        %get3A_148 = tpu.vector_load %arg6[%get3A_146, %get3A_147] {strides = array<i32>} : memref<8x1024xf32, #tpu.memory_space<vmem>>, vector<1x16xf32>,
        %get3A_149 = vector.shape_cast %get3A_148 : vector<1x16xf32> to vector<16xf32>
        %mul3A_150 = arith.mulf %get3A_142, %get3A_149 : vector<16xf32>
        %add3A_151 = arith.addf %scan3A_137, %mul3A_150 : vector<16xf32>
        scf.yield %add3A_151 : vector<16xf32>
      }
      %scan3A_24 = arith.constant 64 : i32
      %swap3A = arith.constant 0 : i32
      %swap3A_25 = arith.index_cast %add3A_17 : i32 to index
      %swap3A_26 = arith.index_cast %swap3A : i32 to index
      %swap3A_27 = arith.constant 0 : index
      %swap3A_28 = tpu.vector_load %arg7[%swap3A_25, %swap3A_26, %swap3A_27] {strides = array<i32>} : memref<2x8x16xf32, #tpu.memory_space<vmem>>, vector<1x1x16xf32>,
      %swap3A_29 = vector.shape_cast %swap3A_28 : vector<1x1x16xf32> to vector<16xf32>
      %swap3A_30 = vector.shape_cast %scan3A_23 : vector<16xf32> to vector<1x1x16xf32>
      tpu.vector_store %arg7[%swap3A_25, %swap3A_26, %swap3A_27], %swap3A_30 {strides = array<i32>} : memref<2x8x16xf32, #tpu.memory_space<vmem>>, vector<1x1x16xf32>,
      %broadcast_in_dim3A_31 = arith.constant 0.000000e+00 : f32
      %broadcast_in_dim3A_32 = vector.broadcast %broadcast_in_dim3A_31 : f32 to vector<16xf32>
      %scan3A_33 = arith.constant 0 : i32
      %scan3A_34 = arith.constant 64 : i32
      %scan3A_35 = arith.addi %scan3A_33, %scan3A_34 : i32
      %scan3A_36 = arith.constant 1 : i32
      %scan3A_37 = scf.for %scan3A_136 = %scan3A_33 to %scan3A_35 step %scan3A_36 iter_args(%scan3A_137 = %broadcast_in_dim3A_32) -> (vector<16xf32>)  : i32 {
        %mul3A_138 = arith.constant 16 : i32
        %mul3A_139 = arith.muli %scan3A_136, %mul3A_138 : i32
        %get3A = arith.index_cast %add3A_17 : i32 to index
        %get3A_140 = arith.index_cast %mul3A_139 : i32 to index
        %get3A_141 = tpu.vector_load %arg5[%get3A, %get3A_140] {strides = array<i32>} : memref<2x1024xf32, #tpu.memory_space<vmem>>, vector<1x16xf32>,
        %get3A_142 = vector.shape_cast %get3A_141 : vector<1x16xf32> to vector<16xf32>
        %mul3A_143 = arith.constant 16 : i32
        %mul3A_144 = arith.muli %scan3A_136, %mul3A_143 : i32
        %get3A_145 = arith.constant 1 : i32
        %get3A_146 = arith.index_cast %get3A_145 : i32 to index
        %get3A_147 = arith.index_cast %mul3A_144 : i32 to index
        %get3A_148 = tpu.vector_load %arg6[%get3A_146, %get3A_147] {strides = array<i32>} : memref<8x1024xf32, #tpu.memory_space<vmem>>, vector<1x16xf32>,
        %get3A_149 = vector.shape_cast %get3A_148 : vector<1x16xf32> to vector<16xf32>
        %mul3A_150 = arith.mulf %get3A_142, %get3A_149 : vector<16xf32>
        %add3A_151 = arith.addf %scan3A_137, %mul3A_150 : vector<16xf32>
        scf.yield %add3A_151 : vector<16xf32>
      }
      %scan3A_38 = arith.constant 64 : i32
      %swap3A_39 = arith.constant 1 : i32
      %swap3A_40 = arith.index_cast %add3A_17 : i32 to index
      %swap3A_41 = arith.index_cast %swap3A_39 : i32 to index
      %swap3A_42 = arith.constant 0 : index
      %swap3A_43 = tpu.vector_load %arg7[%swap3A_40, %swap3A_41, %swap3A_42] {strides = array<i32>} : memref<2x8x16xf32, #tpu.memory_space<vmem>>, vector<1x1x16xf32>,
      %swap3A_44 = vector.shape_cast %swap3A_43 : vector<1x1x16xf32> to vector<16xf32>
      %swap3A_45 = vector.shape_cast %scan3A_37 : vector<16xf32> to vector<1x1x16xf32>
      tpu.vector_store %arg7[%swap3A_40, %swap3A_41, %swap3A_42], %swap3A_45 {strides = array<i32>} : memref<2x8x16xf32, #tpu.memory_space<vmem>>, vector<1x1x16xf32>,
      %broadcast_in_dim3A_46 = arith.constant 0.000000e+00 : f32
      %broadcast_in_dim3A_47 = vector.broadcast %broadcast_in_dim3A_46 : f32 to vector<16xf32>
      %scan3A_48 = arith.constant 0 : i32
      %scan3A_49 = arith.constant 64 : i32
      %scan3A_50 = arith.addi %scan3A_48, %scan3A_49 : i32
      %scan3A_51 = arith.constant 1 : i32
      %scan3A_52 = scf.for %scan3A_136 = %scan3A_48 to %scan3A_50 step %scan3A_51 iter_args(%scan3A_137 = %broadcast_in_dim3A_47) -> (vector<16xf32>)  : i32 {
        %mul3A_138 = arith.constant 16 : i32
        %mul3A_139 = arith.muli %scan3A_136, %mul3A_138 : i32
        %get3A = arith.index_cast %add3A_17 : i32 to index
        %get3A_140 = arith.index_cast %mul3A_139 : i32 to index
        %get3A_141 = tpu.vector_load %arg5[%get3A, %get3A_140] {strides = array<i32>} : memref<2x1024xf32, #tpu.memory_space<vmem>>, vector<1x16xf32>,
        %get3A_142 = vector.shape_cast %get3A_141 : vector<1x16xf32> to vector<16xf32>
        %mul3A_143 = arith.constant 16 : i32
        %mul3A_144 = arith.muli %scan3A_136, %mul3A_143 : i32
        %get3A_145 = arith.constant 2 : i32
        %get3A_146 = arith.index_cast %get3A_145 : i32 to index
        %get3A_147 = arith.index_cast %mul3A_144 : i32 to index
        %get3A_148 = tpu.vector_load %arg6[%get3A_146, %get3A_147] {strides = array<i32>} : memref<8x1024xf32, #tpu.memory_space<vmem>>, vector<1x16xf32>,
        %get3A_149 = vector.shape_cast %get3A_148 : vector<1x16xf32> to vector<16xf32>
        %mul3A_150 = arith.mulf %get3A_142, %get3A_149 : vector<16xf32>
        %add3A_151 = arith.addf %scan3A_137, %mul3A_150 : vector<16xf32>
        scf.yield %add3A_151 : vector<16xf32>
      }
      %scan3A_53 = arith.constant 64 : i32
      %swap3A_54 = arith.constant 2 : i32
      %swap3A_55 = arith.index_cast %add3A_17 : i32 to index
      %swap3A_56 = arith.index_cast %swap3A_54 : i32 to index
      %swap3A_57 = arith.constant 0 : index
      %swap3A_58 = tpu.vector_load %arg7[%swap3A_55, %swap3A_56, %swap3A_57] {strides = array<i32>} : memref<2x8x16xf32, #tpu.memory_space<vmem>>, vector<1x1x16xf32>,
      %swap3A_59 = vector.shape_cast %swap3A_58 : vector<1x1x16xf32> to vector<16xf32>
      %swap3A_60 = vector.shape_cast %scan3A_52 : vector<16xf32> to vector<1x1x16xf32>
      tpu.vector_store %arg7[%swap3A_55, %swap3A_56, %swap3A_57], %swap3A_60 {strides = array<i32>} : memref<2x8x16xf32, #tpu.memory_space<vmem>>, vector<1x1x16xf32>,
      %broadcast_in_dim3A_61 = arith.constant 0.000000e+00 : f32
      %broadcast_in_dim3A_62 = vector.broadcast %broadcast_in_dim3A_61 : f32 to vector<16xf32>
      %scan3A_63 = arith.constant 0 : i32
      %scan3A_64 = arith.constant 64 : i32
      %scan3A_65 = arith.addi %scan3A_63, %scan3A_64 : i32
      %scan3A_66 = arith.constant 1 : i32
      %scan3A_67 = scf.for %scan3A_136 = %scan3A_63 to %scan3A_65 step %scan3A_66 iter_args(%scan3A_137 = %broadcast_in_dim3A_62) -> (vector<16xf32>)  : i32 {
        %mul3A_138 = arith.constant 16 : i32
        %mul3A_139 = arith.muli %scan3A_136, %mul3A_138 : i32
        %get3A = arith.index_cast %add3A_17 : i32 to index
        %get3A_140 = arith.index_cast %mul3A_139 : i32 to index
        %get3A_141 = tpu.vector_load %arg5[%get3A, %get3A_140] {strides = array<i32>} : memref<2x1024xf32, #tpu.memory_space<vmem>>, vector<1x16xf32>,
        %get3A_142 = vector.shape_cast %get3A_141 : vector<1x16xf32> to vector<16xf32>
        %mul3A_143 = arith.constant 16 : i32
        %mul3A_144 = arith.muli %scan3A_136, %mul3A_143 : i32
        %get3A_145 = arith.constant 3 : i32
        %get3A_146 = arith.index_cast %get3A_145 : i32 to index
        %get3A_147 = arith.index_cast %mul3A_144 : i32 to index
        %get3A_148 = tpu.vector_load %arg6[%get3A_146, %get3A_147] {strides = array<i32>} : memref<8x1024xf32, #tpu.memory_space<vmem>>, vector<1x16xf32>,
        %get3A_149 = vector.shape_cast %get3A_148 : vector<1x16xf32> to vector<16xf32>
        %mul3A_150 = arith.mulf %get3A_142, %get3A_149 : vector<16xf32>
        %add3A_151 = arith.addf %scan3A_137, %mul3A_150 : vector<16xf32>
        scf.yield %add3A_151 : vector<16xf32>
      }
      %scan3A_68 = arith.constant 64 : i32
      %swap3A_69 = arith.constant 3 : i32
      %swap3A_70 = arith.index_cast %add3A_17 : i32 to index
      %swap3A_71 = arith.index_cast %swap3A_69 : i32 to index
      %swap3A_72 = arith.constant 0 : index
      %swap3A_73 = tpu.vector_load %arg7[%swap3A_70, %swap3A_71, %swap3A_72] {strides = array<i32>} : memref<2x8x16xf32, #tpu.memory_space<vmem>>, vector<1x1x16xf32>,
      %swap3A_74 = vector.shape_cast %swap3A_73 : vector<1x1x16xf32> to vector<16xf32>
      %swap3A_75 = vector.shape_cast %scan3A_67 : vector<16xf32> to vector<1x1x16xf32>
      tpu.vector_store %arg7[%swap3A_70, %swap3A_71, %swap3A_72], %swap3A_75 {strides = array<i32>} : memref<2x8x16xf32, #tpu.memory_space<vmem>>, vector<1x1x16xf32>,
      %broadcast_in_dim3A_76 = arith.constant 0.000000e+00 : f32
      %broadcast_in_dim3A_77 = vector.broadcast %broadcast_in_dim3A_76 : f32 to vector<16xf32>
      %scan3A_78 = arith.constant 0 : i32
      %scan3A_79 = arith.constant 64 : i32
      %scan3A_80 = arith.addi %scan3A_78, %scan3A_79 : i32
      %scan3A_81 = arith.constant 1 : i32
      %scan3A_82 = scf.for %scan3A_136 = %scan3A_78 to %scan3A_80 step %scan3A_81 iter_args(%scan3A_137 = %broadcast_in_dim3A_77) -> (vector<16xf32>)  : i32 {
        %mul3A_138 = arith.constant 16 : i32
        %mul3A_139 = arith.muli %scan3A_136, %mul3A_138 : i32
        %get3A = arith.index_cast %add3A_17 : i32 to index
        %get3A_140 = arith.index_cast %mul3A_139 : i32 to index
        %get3A_141 = tpu.vector_load %arg5[%get3A, %get3A_140] {strides = array<i32>} : memref<2x1024xf32, #tpu.memory_space<vmem>>, vector<1x16xf32>,
        %get3A_142 = vector.shape_cast %get3A_141 : vector<1x16xf32> to vector<16xf32>
        %mul3A_143 = arith.constant 16 : i32
        %mul3A_144 = arith.muli %scan3A_136, %mul3A_143 : i32
        %get3A_145 = arith.constant 4 : i32
        %get3A_146 = arith.index_cast %get3A_145 : i32 to index
        %get3A_147 = arith.index_cast %mul3A_144 : i32 to index
        %get3A_148 = tpu.vector_load %arg6[%get3A_146, %get3A_147] {strides = array<i32>} : memref<8x1024xf32, #tpu.memory_space<vmem>>, vector<1x16xf32>,
        %get3A_149 = vector.shape_cast %get3A_148 : vector<1x16xf32> to vector<16xf32>
        %mul3A_150 = arith.mulf %get3A_142, %get3A_149 : vector<16xf32>
        %add3A_151 = arith.addf %scan3A_137, %mul3A_150 : vector<16xf32>
        scf.yield %add3A_151 : vector<16xf32>
      }
      %scan3A_83 = arith.constant 64 : i32
      %swap3A_84 = arith.constant 4 : i32
      %swap3A_85 = arith.index_cast %add3A_17 : i32 to index
      %swap3A_86 = arith.index_cast %swap3A_84 : i32 to index
      %swap3A_87 = arith.constant 0 : index
      %swap3A_88 = tpu.vector_load %arg7[%swap3A_85, %swap3A_86, %swap3A_87] {strides = array<i32>} : memref<2x8x16xf32, #tpu.memory_space<vmem>>, vector<1x1x16xf32>,
      %swap3A_89 = vector.shape_cast %swap3A_88 : vector<1x1x16xf32> to vector<16xf32>
      %swap3A_90 = vector.shape_cast %scan3A_82 : vector<16xf32> to vector<1x1x16xf32>
      tpu.vector_store %arg7[%swap3A_85, %swap3A_86, %swap3A_87], %swap3A_90 {strides = array<i32>} : memref<2x8x16xf32, #tpu.memory_space<vmem>>, vector<1x1x16xf32>,
      %broadcast_in_dim3A_91 = arith.constant 0.000000e+00 : f32
      %broadcast_in_dim3A_92 = vector.broadcast %broadcast_in_dim3A_91 : f32 to vector<16xf32>
      %scan3A_93 = arith.constant 0 : i32
      %scan3A_94 = arith.constant 64 : i32
      %scan3A_95 = arith.addi %scan3A_93, %scan3A_94 : i32
      %scan3A_96 = arith.constant 1 : i32
      %scan3A_97 = scf.for %scan3A_136 = %scan3A_93 to %scan3A_95 step %scan3A_96 iter_args(%scan3A_137 = %broadcast_in_dim3A_92) -> (vector<16xf32>)  : i32 {
        %mul3A_138 = arith.constant 16 : i32
        %mul3A_139 = arith.muli %scan3A_136, %mul3A_138 : i32
        %get3A = arith.index_cast %add3A_17 : i32 to index
        %get3A_140 = arith.index_cast %mul3A_139 : i32 to index
        %get3A_141 = tpu.vector_load %arg5[%get3A, %get3A_140] {strides = array<i32>} : memref<2x1024xf32, #tpu.memory_space<vmem>>, vector<1x16xf32>,
        %get3A_142 = vector.shape_cast %get3A_141 : vector<1x16xf32> to vector<16xf32>
        %mul3A_143 = arith.constant 16 : i32
        %mul3A_144 = arith.muli %scan3A_136, %mul3A_143 : i32
        %get3A_145 = arith.constant 5 : i32
        %get3A_146 = arith.index_cast %get3A_145 : i32 to index
        %get3A_147 = arith.index_cast %mul3A_144 : i32 to index
        %get3A_148 = tpu.vector_load %arg6[%get3A_146, %get3A_147] {strides = array<i32>} : memref<8x1024xf32, #tpu.memory_space<vmem>>, vector<1x16xf32>,
        %get3A_149 = vector.shape_cast %get3A_148 : vector<1x16xf32> to vector<16xf32>
        %mul3A_150 = arith.mulf %get3A_142, %get3A_149 : vector<16xf32>
        %add3A_151 = arith.addf %scan3A_137, %mul3A_150 : vector<16xf32>
        scf.yield %add3A_151 : vector<16xf32>
      }
      %scan3A_98 = arith.constant 64 : i32
      %swap3A_99 = arith.constant 5 : i32
      %swap3A_100 = arith.index_cast %add3A_17 : i32 to index
      %swap3A_101 = arith.index_cast %swap3A_99 : i32 to index
      %swap3A_102 = arith.constant 0 : index
      %swap3A_103 = tpu.vector_load %arg7[%swap3A_100, %swap3A_101, %swap3A_102] {strides = array<i32>} : memref<2x8x16xf32, #tpu.memory_space<vmem>>, vector<1x1x16xf32>,
      %swap3A_104 = vector.shape_cast %swap3A_103 : vector<1x1x16xf32> to vector<16xf32>
      %swap3A_105 = vector.shape_cast %scan3A_97 : vector<16xf32> to vector<1x1x16xf32>
      tpu.vector_store %arg7[%swap3A_100, %swap3A_101, %swap3A_102], %swap3A_105 {strides = array<i32>} : memref<2x8x16xf32, #tpu.memory_space<vmem>>, vector<1x1x16xf32>,
      %broadcast_in_dim3A_106 = arith.constant 0.000000e+00 : f32
      %broadcast_in_dim3A_107 = vector.broadcast %broadcast_in_dim3A_106 : f32 to vector<16xf32>
      %scan3A_108 = arith.constant 0 : i32
      %scan3A_109 = arith.constant 64 : i32
      %scan3A_110 = arith.addi %scan3A_108, %scan3A_109 : i32
      %scan3A_111 = arith.constant 1 : i32
      %scan3A_112 = scf.for %scan3A_136 = %scan3A_108 to %scan3A_110 step %scan3A_111 iter_args(%scan3A_137 = %broadcast_in_dim3A_107) -> (vector<16xf32>)  : i32 {
        %mul3A_138 = arith.constant 16 : i32
        %mul3A_139 = arith.muli %scan3A_136, %mul3A_138 : i32
        %get3A = arith.index_cast %add3A_17 : i32 to index
        %get3A_140 = arith.index_cast %mul3A_139 : i32 to index
        %get3A_141 = tpu.vector_load %arg5[%get3A, %get3A_140] {strides = array<i32>} : memref<2x1024xf32, #tpu.memory_space<vmem>>, vector<1x16xf32>,
        %get3A_142 = vector.shape_cast %get3A_141 : vector<1x16xf32> to vector<16xf32>
        %mul3A_143 = arith.constant 16 : i32
        %mul3A_144 = arith.muli %scan3A_136, %mul3A_143 : i32
        %get3A_145 = arith.constant 6 : i32
        %get3A_146 = arith.index_cast %get3A_145 : i32 to index
        %get3A_147 = arith.index_cast %mul3A_144 : i32 to index
        %get3A_148 = tpu.vector_load %arg6[%get3A_146, %get3A_147] {strides = array<i32>} : memref<8x1024xf32, #tpu.memory_space<vmem>>, vector<1x16xf32>,
        %get3A_149 = vector.shape_cast %get3A_148 : vector<1x16xf32> to vector<16xf32>
        %mul3A_150 = arith.mulf %get3A_142, %get3A_149 : vector<16xf32>
        %add3A_151 = arith.addf %scan3A_137, %mul3A_150 : vector<16xf32>
        scf.yield %add3A_151 : vector<16xf32>
      }
      %scan3A_113 = arith.constant 64 : i32
      %swap3A_114 = arith.constant 6 : i32
      %swap3A_115 = arith.index_cast %add3A_17 : i32 to index
      %swap3A_116 = arith.index_cast %swap3A_114 : i32 to index
      %swap3A_117 = arith.constant 0 : index
      %swap3A_118 = tpu.vector_load %arg7[%swap3A_115, %swap3A_116, %swap3A_117] {strides = array<i32>} : memref<2x8x16xf32, #tpu.memory_space<vmem>>, vector<1x1x16xf32>,
      %swap3A_119 = vector.shape_cast %swap3A_118 : vector<1x1x16xf32> to vector<16xf32>
      %swap3A_120 = vector.shape_cast %scan3A_112 : vector<16xf32> to vector<1x1x16xf32>
      tpu.vector_store %arg7[%swap3A_115, %swap3A_116, %swap3A_117], %swap3A_120 {strides = array<i32>} : memref<2x8x16xf32, #tpu.memory_space<vmem>>, vector<1x1x16xf32>,
      %broadcast_in_dim3A_121 = arith.constant 0.000000e+00 : f32
      %broadcast_in_dim3A_122 = vector.broadcast %broadcast_in_dim3A_121 : f32 to vector<16xf32>
      %scan3A_123 = arith.constant 0 : i32
      %scan3A_124 = arith.constant 64 : i32
      %scan3A_125 = arith.addi %scan3A_123, %scan3A_124 : i32
      %scan3A_126 = arith.constant 1 : i32
      %scan3A_127 = scf.for %scan3A_136 = %scan3A_123 to %scan3A_125 step %scan3A_126 iter_args(%scan3A_137 = %broadcast_in_dim3A_122) -> (vector<16xf32>)  : i32 {
        %mul3A_138 = arith.constant 16 : i32
        %mul3A_139 = arith.muli %scan3A_136, %mul3A_138 : i32
        %get3A = arith.index_cast %add3A_17 : i32 to index
        %get3A_140 = arith.index_cast %mul3A_139 : i32 to index
        %get3A_141 = tpu.vector_load %arg5[%get3A, %get3A_140] {strides = array<i32>} : memref<2x1024xf32, #tpu.memory_space<vmem>>, vector<1x16xf32>,
        %get3A_142 = vector.shape_cast %get3A_141 : vector<1x16xf32> to vector<16xf32>
        %mul3A_143 = arith.constant 16 : i32
        %mul3A_144 = arith.muli %scan3A_136, %mul3A_143 : i32
        %get3A_145 = arith.constant 7 : i32
        %get3A_146 = arith.index_cast %get3A_145 : i32 to index
        %get3A_147 = arith.index_cast %mul3A_144 : i32 to index
        %get3A_148 = tpu.vector_load %arg6[%get3A_146, %get3A_147] {strides = array<i32>} : memref<8x1024xf32, #tpu.memory_space<vmem>>, vector<1x16xf32>,
        %get3A_149 = vector.shape_cast %get3A_148 : vector<1x16xf32> to vector<16xf32>
        %mul3A_150 = arith.mulf %get3A_142, %get3A_149 : vector<16xf32>
        %add3A_151 = arith.addf %scan3A_137, %mul3A_150 : vector<16xf32>
        scf.yield %add3A_151 : vector<16xf32>
      }
      %scan3A_128 = arith.constant 64 : i32
      %swap3A_129 = arith.constant 7 : i32
      %swap3A_130 = arith.index_cast %add3A_17 : i32 to index
      %swap3A_131 = arith.index_cast %swap3A_129 : i32 to index
      %swap3A_132 = arith.constant 0 : index
      %swap3A_133 = tpu.vector_load %arg7[%swap3A_130, %swap3A_131, %swap3A_132] {strides = array<i32>} : memref<2x8x16xf32, #tpu.memory_space<vmem>>, vector<1x1x16xf32>,
      %swap3A_134 = vector.shape_cast %swap3A_133 : vector<1x1x16xf32> to vector<16xf32>
      %swap3A_135 = vector.shape_cast %scan3A_127 : vector<16xf32> to vector<1x1x16xf32>
      tpu.vector_store %arg7[%swap3A_130, %swap3A_131, %swap3A_132], %swap3A_135 {strides = array<i32>} : memref<2x8x16xf32, #tpu.memory_space<vmem>>, vector<1x1x16xf32>,
    }
    %scan3A_12 = arith.constant 2 : i32
    "tpu.region"() ({
      %run_scoped3A = tpu.sem_alloc : memref<!tpu.dma_semaphore, #tpu.memory_space<semaphore_mem>>
      %dma_start3A_13 = arith.constant 0 : i32
      %dma_start3A_14 = arith.constant 0 : i32
      %dma_start3A_15 = tpu.memref_slice %arg4[%mul3A_2, %dma_start3A_13, %dma_start3A_14] : memref<64x8x16xf32, #tpu.memory_space<hbm>> -> memref<2x8x16xf32, #tpu.memory_space<hbm>>
      %dma_start3A_16 = arith.constant 0 : i32
      %dma_start3A_17 = arith.constant 0 : i32
      %dma_start3A_18 = tpu.memref_slice %arg4[%mul3A_2, %dma_start3A_16, %dma_start3A_17] : memref<64x8x16xf32, #tpu.memory_space<hbm>> -> memref<2x8x16xf32, #tpu.memory_space<hbm>>
      tpu.enqueue_dma source(%arg7 : memref<2x8x16xf32, #tpu.memory_space<vmem>>) target(%dma_start3A_18 : memref<2x8x16xf32, #tpu.memory_space<hbm>>) target_semaphore(%run_scoped3A : memref<!tpu.dma_semaphore, #tpu.memory_space<semaphore_mem>>)
      %dma_wait3A_19 = arith.constant 0 : i32
      %dma_wait3A_20 = arith.constant 0 : i32
      %dma_wait3A_21 = tpu.memref_slice %arg4[%mul3A_2, %dma_wait3A_19, %dma_wait3A_20] : memref<64x8x16xf32, #tpu.memory_space<hbm>> -> memref<2x8x16xf32, #tpu.memory_space<hbm>>
      %dma_wait3A_22 = arith.constant 0 : i32
      %dma_wait3A_23 = arith.constant 0 : i32
      %dma_wait3A_24 = tpu.memref_slice %arg4[%mul3A_2, %dma_wait3A_22, %dma_wait3A_23] : memref<64x8x16xf32, #tpu.memory_space<hbm>> -> memref<2x8x16xf32, #tpu.memory_space<hbm>>
      tpu.wait_dma2 semaphore(%run_scoped3A : memref<!tpu.dma_semaphore, #tpu.memory_space<semaphore_mem>>) src(%arg7 : memref<2x8x16xf32, #tpu.memory_space<vmem>>) dst(%dma_wait3A_24 : memref<2x8x16xf32, #tpu.memory_space<hbm>>)
      tpu.yield
    }) : () -> ()
    return
  }
}

module attributes {stable_mosaic.version = 14 : i64} {
  func.func @_moe_body(%arg0: i32, %arg1: i32, %arg2: memref<64x1024xf32, #tpu.memory_space<vmem>>, %arg3: memref<64x8x16xf32, #tpu.memory_space<vmem>>, %arg4: memref<1x1024x1024xf32, #tpu.memory_space<vmem>>, %arg5: memref<1x1024x1024xf32, #tpu.memory_space<vmem>>, %arg6: memref<1x256x4096xf32, #tpu.memory_space<vmem>>, %arg7: memref<64x1024xf32, #tpu.memory_space<vmem>>, %arg8: memref<64x8xf32, #tpu.memory_space<vmem>>, %arg9: memref<2x64x4096xf32, #tpu.memory_space<vmem>>) attributes {dimension_semantics = [#tpu.dimension_semantics<arbitrary>, #tpu.dimension_semantics<arbitrary>], iteration_bounds = array<i64: 9, 4>, scalar_prefetch = 0 : i64, scratch_operands = 2 : i64, tpu.core_type = #tpu.core_type<tc>, window_params = [{pipeline_mode = #tpu.pipeline_mode<synchronous>, transform_indices = @transform_0, window_bounds = array<i64: 64, 1024>}, {pipeline_mode = #tpu.pipeline_mode<synchronous>, transform_indices = @transform_1, window_bounds = array<i64: 64, 8, 16>}, {transform_indices = @transform_2, window_bounds = array<i64: 1, 1024, 1024>}, {transform_indices = @transform_3, window_bounds = array<i64: 1, 1024, 1024>}, {transform_indices = @transform_4, window_bounds = array<i64: 1, 256, 4096>}, {pipeline_mode = #tpu.pipeline_mode<synchronous>, transform_indices = @transform_5, window_bounds = array<i64: 64, 1024>}]} {
    %eq3A = arith.constant 0 : i32
    %eq3A_0 = arith.cmpi eq, %arg0, %eq3A : i32
    %eq3A_1 = arith.constant 0 : i32
    %eq3A_2 = arith.cmpi eq, %arg1, %eq3A_1 : i32
    %and3A = arith.andi %eq3A_0, %eq3A_2 : i1
    %convert_element_type3A = arith.extui %and3A : i1 to i32
    %cond3A = arith.constant 0 : i32
    %cond3A_3 = arith.cmpi ne, %convert_element_type3A, %cond3A : i32
    scf.if %cond3A_3 {
      %get3A = arith.constant 0 : index
      %get3A_12 = arith.constant 0 : index
      %get3A_13 = arith.constant 0 : index
      %get3A_14 = vector.load %arg3[%get3A, %get3A_12, %get3A_13] : memref<64x8x16xf32, #tpu.memory_space<vmem>>, vector<64x8x16xf32>
      %reduce_sum3A = arith.constant dense<0.000000e+00> : vector<64x8xf32>
      %reduce_sum3A_15 = vector.multi_reduction <add>, %get3A_14, %reduce_sum3A [2] : vector<64x8x16xf32> to vector<64x8xf32>
      %reduce_max3A = arith.constant dense<0xFF800000> : vector<64xf32>
      %reduce_max3A_16 = vector.multi_reduction <maximumf>, %reduce_sum3A_15, %reduce_max3A [1] : vector<64x8xf32> to vector<64xf32>
      %broadcast_in_dim3A = vector.shape_cast %reduce_max3A_16 : vector<64xf32> to vector<64x1xf32>
      %sub3A = vector.broadcast %broadcast_in_dim3A : vector<64x1xf32> to vector<64x8xf32>
      %sub3A_17 = arith.subf %reduce_sum3A_15, %sub3A : vector<64x8xf32>
      %exp3A = math.exp %sub3A_17 : vector<64x8xf32>
      %reduce_sum3A_18 = arith.constant dense<0.000000e+00> : vector<64xf32>
      %reduce_sum3A_19 = vector.multi_reduction <add>, %exp3A, %reduce_sum3A_18 [1] : vector<64x8xf32> to vector<64xf32>
      %broadcast_in_dim3A_20 = vector.shape_cast %reduce_sum3A_19 : vector<64xf32> to vector<64x1xf32>
      %div3A = vector.broadcast %broadcast_in_dim3A_20 : vector<64x1xf32> to vector<64x8xf32>
      %div3A_21 = arith.divf %exp3A, %div3A : vector<64x8xf32>
      %iota3A = tpu.iota {dimensions = array<i32: 1>} : vector<64x8xi32>
      %reduce_max3A_22 = arith.constant dense<0xFF800000> : vector<64xf32>
      %reduce_max3A_23 = vector.multi_reduction <maximumf>, %div3A_21, %reduce_max3A_22 [1] : vector<64x8xf32> to vector<64xf32>
      %broadcast_in_dim3A_24 = vector.shape_cast %reduce_max3A_23 : vector<64xf32> to vector<64x1xf32>
      %argmax3A = tpu.reduce_index %div3A_21 {axis = 1 : i32, kind = #tpu.reduction_kind<arg_max>} : vector<64x8xf32> -> vector<64xi32>
      %broadcast_in_dim3A_25 = vector.shape_cast %argmax3A : vector<64xi32> to vector<64x1xi32>
      %eq3A_26 = vector.broadcast %broadcast_in_dim3A_25 : vector<64x1xi32> to vector<64x8xi32>
      %eq3A_27 = arith.cmpi eq, %iota3A, %eq3A_26 : vector<64x8xi32>
      %jit3A = arith.constant 0xFF800000 : f32
      %broadcast_in_dim3A_28 = vector.broadcast %jit3A : f32 to vector<64x8xf32>
      %select_n3A = arith.select %eq3A_27, %broadcast_in_dim3A_28, %div3A_21 : vector<64x8xi1>, vector<64x8xf32>
      %reduce_max3A_29 = arith.constant dense<0xFF800000> : vector<64xf32>
      %reduce_max3A_30 = vector.multi_reduction <maximumf>, %select_n3A, %reduce_max3A_29 [1] : vector<64x8xf32> to vector<64xf32>
      %broadcast_in_dim3A_31 = vector.shape_cast %reduce_max3A_30 : vector<64xf32> to vector<64x1xf32>
      %argmax3A_32 = tpu.reduce_index %select_n3A {axis = 1 : i32, kind = #tpu.reduction_kind<arg_max>} : vector<64x8xf32> -> vector<64xi32>
      %broadcast_in_dim3A_33 = vector.shape_cast %argmax3A_32 : vector<64xi32> to vector<64x1xi32>
      %add3A = arith.addf %broadcast_in_dim3A_24, %broadcast_in_dim3A_31 : vector<64x1xf32>
      %eq3A_34 = vector.broadcast %broadcast_in_dim3A_25 : vector<64x1xi32> to vector<64x8xi32>
      %eq3A_35 = arith.cmpi eq, %iota3A, %eq3A_34 : vector<64x8xi32>
      %div3A_36 = arith.divf %broadcast_in_dim3A_24, %add3A : vector<64x1xf32>
      %eq3A_37 = vector.broadcast %broadcast_in_dim3A_33 : vector<64x1xi32> to vector<64x8xi32>
      %eq3A_38 = arith.cmpi eq, %iota3A, %eq3A_37 : vector<64x8xi32>
      %div3A_39 = arith.divf %broadcast_in_dim3A_31, %add3A : vector<64x1xf32>
      %jit3A_40 = arith.constant 0.000000e+00 : f32
      %broadcast_in_dim3A_41 = vector.shape_cast %div3A_39 : vector<64x1xf32> to vector<64x1xf32>
      %broadcast_in_dim3A_42 = vector.broadcast %broadcast_in_dim3A_41 : vector<64x1xf32> to vector<64x8xf32>
      %broadcast_in_dim3A_43 = vector.broadcast %jit3A_40 : f32 to vector<64x8xf32>
      %select_n3A_44 = arith.select %eq3A_38, %broadcast_in_dim3A_42, %broadcast_in_dim3A_43 : vector<64x8xi1>, vector<64x8xf32>
      %broadcast_in_dim3A_45 = vector.shape_cast %div3A_36 : vector<64x1xf32> to vector<64x1xf32>
      %broadcast_in_dim3A_46 = vector.broadcast %broadcast_in_dim3A_45 : vector<64x1xf32> to vector<64x8xf32>
      %select_n3A_47 = arith.select %eq3A_35, %broadcast_in_dim3A_46, %select_n3A_44 : vector<64x8xi1>, vector<64x8xf32>
      %swap3A = arith.constant 0 : index
      %swap3A_48 = arith.constant 0 : index
      %swap3A_49 = vector.load %arg8[%swap3A, %swap3A_48] : memref<64x8xf32, #tpu.memory_space<vmem>>, vector<64x8xf32>
      tpu.vector_store %arg8[%swap3A, %swap3A_48], %select_n3A_47 {strides = array<i32>} : memref<64x8xf32, #tpu.memory_space<vmem>>, vector<64x8xf32>,
      %broadcast_in_dim3A_50 = arith.constant 0.000000e+00 : f32
      %broadcast_in_dim3A_51 = vector.broadcast %broadcast_in_dim3A_50 : f32 to vector<64x1024xf32>
      %swap3A_52 = arith.constant 0 : index
      %swap3A_53 = arith.constant 0 : index
      %swap3A_54 = vector.load %arg7[%swap3A_52, %swap3A_53] : memref<64x1024xf32, #tpu.memory_space<vmem>>, vector<64x1024xf32>
      tpu.vector_store %arg7[%swap3A_52, %swap3A_53], %broadcast_in_dim3A_51 {strides = array<i32>} : memref<64x1024xf32, #tpu.memory_space<vmem>>, vector<64x1024xf32>,
    } else {
    }
    %lt3A = arith.constant 8 : i32
    %lt3A_4 = arith.cmpi slt, %arg0, %lt3A : i32
    %convert_element_type3A_5 = arith.extui %lt3A_4 : i1 to i32
    %cond3A_6 = arith.constant 0 : i32
    %cond3A_7 = arith.cmpi ne, %convert_element_type3A_5, %cond3A_6 : i32
    scf.if %cond3A_7 {
      %get3A = arith.constant 0 : index
      %get3A_12 = arith.constant 0 : index
      %get3A_13 = vector.load %arg2[%get3A, %get3A_12] : memref<64x1024xf32, #tpu.memory_space<vmem>>, vector<64x1024xf32>
      %get3A_14 = arith.constant 0 : index
      %get3A_15 = arith.constant 0 : index
      %get3A_16 = arith.constant 0 : index
      %get3A_17 = vector.load %arg4[%get3A_14, %get3A_15, %get3A_16] : memref<1x1024x1024xf32, #tpu.memory_space<vmem>>, vector<1x1024x1024xf32>
      %get3A_18 = vector.shape_cast %get3A_17 : vector<1x1024x1024xf32> to vector<1024x1024xf32>
      %dot_general3A = arith.constant dense<0.000000e+00> : vector<64x1024xf32>
      %dot_general3A_19 = tpu.matmul %get3A_13, %get3A_18, %dot_general3A {dimension_numbers = #tpu.dot_dimension_numbers<[1], [1], [0], [0], [0, 0, 1, 0], [], []>, transpose_lhs_hint = false} : vector<64x1024xf32>, vector<1024x1024xf32>, vector<64x1024xf32> -> vector<64x1024xf32>
      %get3A_20 = arith.constant 0 : index
      %get3A_21 = arith.constant 0 : index
      %get3A_22 = arith.constant 0 : index
      %get3A_23 = vector.load %arg5[%get3A_20, %get3A_21, %get3A_22] : memref<1x1024x1024xf32, #tpu.memory_space<vmem>>, vector<1x1024x1024xf32>
      %get3A_24 = vector.shape_cast %get3A_23 : vector<1x1024x1024xf32> to vector<1024x1024xf32>
      %dot_general3A_25 = arith.constant dense<0.000000e+00> : vector<64x1024xf32>
      %dot_general3A_26 = tpu.matmul %get3A_13, %get3A_24, %dot_general3A_25 {dimension_numbers = #tpu.dot_dimension_numbers<[1], [1], [0], [0], [0, 0, 1, 0], [], []>, transpose_lhs_hint = false} : vector<64x1024xf32>, vector<1024x1024xf32>, vector<64x1024xf32> -> vector<64x1024xf32>
      %iota3A = tpu.iota {dimensions = array<i32: 1>} : vector<64x8xi32>
      %eq3A_27 = vector.broadcast %arg0 : i32 to vector<64x8xi32>
      %eq3A_28 = arith.cmpi eq, %iota3A, %eq3A_27 : vector<64x8xi32>
      %get3A_29 = arith.constant 0 : index
      %get3A_30 = arith.constant 0 : index
      %get3A_31 = vector.load %arg8[%get3A_29, %get3A_30] : memref<64x8xf32, #tpu.memory_space<vmem>>, vector<64x8xf32>
      %jit3A = arith.constant 0.000000e+00 : f32
      %broadcast_in_dim3A = vector.broadcast %jit3A : f32 to vector<64x8xf32>
      %select_n3A = arith.select %eq3A_28, %get3A_31, %broadcast_in_dim3A : vector<64x8xi1>, vector<64x8xf32>
      %reduce_sum3A = arith.constant dense<0.000000e+00> : vector<64xf32>
      %reduce_sum3A_32 = vector.multi_reduction <add>, %select_n3A, %reduce_sum3A [1] : vector<64x8xf32> to vector<64xf32>
      %broadcast_in_dim3A_33 = vector.shape_cast %reduce_sum3A_32 : vector<64xf32> to vector<64x1xf32>
      %logistic3A = arith.negf %dot_general3A_19 : vector<64x1024xf32>
      %logistic3A_34 = math.exp %logistic3A : vector<64x1024xf32>
      %logistic3A_35 = arith.constant 1.000000e+00 : f32
      %logistic3A_36 = vector.broadcast %logistic3A_35 : f32 to vector<64x1024xf32>
      %logistic3A_37 = arith.addf %logistic3A_36, %logistic3A_34 : vector<64x1024xf32>
      %logistic3A_38 = arith.divf %logistic3A_36, %logistic3A_37 : vector<64x1024xf32>
      %mul3A = arith.mulf %dot_general3A_19, %logistic3A_38 : vector<64x1024xf32>
      %mul3A_39 = arith.mulf %mul3A, %dot_general3A_26 : vector<64x1024xf32>
      %mul3A_40 = vector.broadcast %broadcast_in_dim3A_33 : vector<64x1xf32> to vector<64x1024xf32>
      %mul3A_41 = arith.mulf %mul3A_39, %mul3A_40 : vector<64x1024xf32>
      %jit3A_42 = arith.constant 2 : i32
      %eq3A_43 = arith.constant 0 : i32
      %eq3A_44 = arith.cmpi eq, %jit3A_42, %eq3A_43 : i32
      %jit3A_45 = arith.constant 1 : i32
      %select_n3A_46 = arith.select %eq3A_44, %jit3A_45, %jit3A_42 : i32
      %rem3A = arith.remsi %arg0, %select_n3A_46 : i32
      %ne3A = arith.constant 0 : i32
      %ne3A_47 = arith.cmpi ne, %rem3A, %ne3A : i32
      %lt3A_48 = arith.constant 0 : i32
      %lt3A_49 = arith.cmpi slt, %rem3A, %lt3A_48 : i32
      %lt3A_50 = arith.constant 0 : i32
      %lt3A_51 = arith.cmpi slt, %select_n3A_46, %lt3A_50 : i32
      %ne3A_52 = arith.xori %lt3A_49, %lt3A_51 : i1
      %and3A_53 = arith.andi %ne3A_52, %ne3A_47 : i1
      %add3A = arith.addi %rem3A, %select_n3A_46 : i32
      %select_n3A_54 = arith.select %and3A_53, %add3A, %rem3A : i32
      %mul3A_55 = arith.constant 1024 : i32
      %mul3A_56 = arith.muli %arg1, %mul3A_55 : i32
      %swap3A = arith.index_cast %select_n3A_54 : i32 to index
      %swap3A_57 = arith.constant 0 : index
      %swap3A_58 = arith.index_cast %mul3A_56 : i32 to index
      %swap3A_59 = vector.load %arg9[%swap3A, %swap3A_57, %swap3A_58] : memref<2x64x4096xf32, #tpu.memory_space<vmem>>, vector<1x64x1024xf32>
      %swap3A_60 = vector.shape_cast %swap3A_59 : vector<1x64x1024xf32> to vector<64x1024xf32>
      %swap3A_61 = vector.shape_cast %mul3A_41 : vector<64x1024xf32> to vector<1x64x1024xf32>
      tpu.vector_store %arg9[%swap3A, %swap3A_57, %swap3A_58], %swap3A_61 {strides = array<i32>} : memref<2x64x4096xf32, #tpu.memory_space<vmem>>, vector<1x64x1024xf32>,
    } else {
    }
    %gt3A = arith.constant 0 : i32
    %gt3A_8 = arith.cmpi sgt, %arg0, %gt3A : i32
    %convert_element_type3A_9 = arith.extui %gt3A_8 : i1 to i32
    %cond3A_10 = arith.constant 0 : i32
    %cond3A_11 = arith.cmpi ne, %convert_element_type3A_9, %cond3A_10 : i32
    scf.if %cond3A_11 {
      %sub3A = arith.constant 1 : i32
      %sub3A_12 = arith.subi %arg0, %sub3A : i32
      %jit3A = arith.constant 2 : i32
      %eq3A_13 = arith.constant 0 : i32
      %eq3A_14 = arith.cmpi eq, %jit3A, %eq3A_13 : i32
      %jit3A_15 = arith.constant 1 : i32
      %select_n3A = arith.select %eq3A_14, %jit3A_15, %jit3A : i32
      %rem3A = arith.remsi %sub3A_12, %select_n3A : i32
      %ne3A = arith.constant 0 : i32
      %ne3A_16 = arith.cmpi ne, %rem3A, %ne3A : i32
      %lt3A_17 = arith.constant 0 : i32
      %lt3A_18 = arith.cmpi slt, %rem3A, %lt3A_17 : i32
      %lt3A_19 = arith.constant 0 : i32
      %lt3A_20 = arith.cmpi slt, %select_n3A, %lt3A_19 : i32
      %ne3A_21 = arith.xori %lt3A_18, %lt3A_20 : i1
      %and3A_22 = arith.andi %ne3A_21, %ne3A_16 : i1
      %add3A = arith.addi %rem3A, %select_n3A : i32
      %select_n3A_23 = arith.select %and3A_22, %add3A, %rem3A : i32
      %get3A = arith.index_cast %select_n3A_23 : i32 to index
      %get3A_24 = arith.constant 0 : index
      %get3A_25 = arith.constant 0 : index
      %get3A_26 = vector.load %arg9[%get3A, %get3A_24, %get3A_25] : memref<2x64x4096xf32, #tpu.memory_space<vmem>>, vector<1x64x4096xf32>
      %get3A_27 = vector.shape_cast %get3A_26 : vector<1x64x4096xf32> to vector<64x4096xf32>
      %get3A_28 = arith.constant 0 : index
      %get3A_29 = arith.constant 0 : index
      %get3A_30 = arith.constant 0 : index
      %get3A_31 = vector.load %arg6[%get3A_28, %get3A_29, %get3A_30] : memref<1x256x4096xf32, #tpu.memory_space<vmem>>, vector<1x256x4096xf32>
      %get3A_32 = vector.shape_cast %get3A_31 : vector<1x256x4096xf32> to vector<256x4096xf32>
      %dot_general3A = arith.constant dense<0.000000e+00> : vector<64x256xf32>
      %dot_general3A_33 = tpu.matmul %get3A_27, %get3A_32, %dot_general3A {dimension_numbers = #tpu.dot_dimension_numbers<[1], [1], [0], [0], [0, 0, 1, 0], [], []>, transpose_lhs_hint = false} : vector<64x4096xf32>, vector<256x4096xf32>, vector<64x256xf32> -> vector<64x256xf32>
      %mul3A = arith.constant 256 : i32
      %mul3A_34 = arith.muli %arg1, %mul3A : i32
      %get3A_35 = arith.constant 0 : index
      %get3A_36 = arith.index_cast %mul3A_34 : i32 to index
      %get3A_37 = vector.load %arg7[%get3A_35, %get3A_36] : memref<64x1024xf32, #tpu.memory_space<vmem>>, vector<64x256xf32>
      %add3A_38 = arith.addf %get3A_37, %dot_general3A_33 : vector<64x256xf32>
      %swap3A = arith.constant 0 : index
      %swap3A_39 = arith.index_cast %mul3A_34 : i32 to index
      %swap3A_40 = vector.load %arg7[%swap3A, %swap3A_39] : memref<64x1024xf32, #tpu.memory_space<vmem>>, vector<64x256xf32>
      tpu.vector_store %arg7[%swap3A, %swap3A_39], %add3A_38 {strides = array<i32>} : memref<64x1024xf32, #tpu.memory_space<vmem>>, vector<64x256xf32>,
    } else {
    }
    return
  }
  func.func @transform_0(%arg0: i32, %arg1: i32) -> (i32, i32) {
    %c0_i32 = arith.constant 0 : i32
    %c0_i32_0 = arith.constant 0 : i32
    %c0_i32_1 = arith.constant 0 : i32
    return %c0_i32, %c0_i32_0 : i32, i32
  }
  func.func @transform_1(%arg0: i32, %arg1: i32) -> (i32, i32, i32) {
    %c0_i32 = arith.constant 0 : i32
    %c0_i32_0 = arith.constant 0 : i32
    %c0_i32_1 = arith.constant 0 : i32
    %c0_i32_2 = arith.constant 0 : i32
    return %c0_i32, %c0_i32_0, %c0_i32_1 : i32, i32, i32
  }
  func.func @transform_2(%arg0: i32, %arg1: i32) -> (i32, i32, i32) {
    %min3A = arith.constant 7 : i32
    %min3A_0 = arith.minsi %arg0, %min3A : i32
    %lt3A = arith.constant 8 : i32
    %lt3A_1 = arith.cmpi slt, %arg0, %lt3A : i32
    %jit3A = arith.constant 3 : i32
    %select_n3A = arith.select %lt3A_1, %arg1, %jit3A : i32
    %c0_i32 = arith.constant 0 : i32
    %c0_i32_2 = arith.constant 0 : i32
    return %min3A_0, %select_n3A, %c0_i32 : i32, i32, i32
  }
  func.func @transform_3(%arg0: i32, %arg1: i32) -> (i32, i32, i32) {
    %min3A = arith.constant 7 : i32
    %min3A_0 = arith.minsi %arg0, %min3A : i32
    %lt3A = arith.constant 8 : i32
    %lt3A_1 = arith.cmpi slt, %arg0, %lt3A : i32
    %jit3A = arith.constant 3 : i32
    %select_n3A = arith.select %lt3A_1, %arg1, %jit3A : i32
    %c0_i32 = arith.constant 0 : i32
    %c0_i32_2 = arith.constant 0 : i32
    return %min3A_0, %select_n3A, %c0_i32 : i32, i32, i32
  }
  func.func @transform_4(%arg0: i32, %arg1: i32) -> (i32, i32, i32) {
    %sub3A = arith.constant 1 : i32
    %sub3A_0 = arith.subi %arg0, %sub3A : i32
    %max3A = arith.constant 0 : i32
    %max3A_1 = arith.maxsi %sub3A_0, %max3A : i32
    %eq3A = arith.constant 0 : i32
    %eq3A_2 = arith.cmpi eq, %arg0, %eq3A : i32
    %jit3A = arith.constant 0 : i32
    %select_n3A = arith.select %eq3A_2, %jit3A, %arg1 : i32
    %c0_i32 = arith.constant 0 : i32
    %c0_i32_3 = arith.constant 0 : i32
    return %max3A_1, %select_n3A, %c0_i32 : i32, i32, i32
  }
  func.func @transform_5(%arg0: i32, %arg1: i32) -> (i32, i32) {
    %c0_i32 = arith.constant 0 : i32
    %c0_i32_0 = arith.constant 0 : i32
    %c0_i32_1 = arith.constant 0 : i32
    return %c0_i32, %c0_i32_0 : i32, i32
  }
}

</mosaic_0001>

<sc_bundles>
// kernel: kernel.4.cloned.1.call-start
scs
__scs_entry_jumppad:
0x0: {  	(pc) =	sbr.rel $0x88, $3  }
0x1: {  	(tag) =	ssettag $0x0;
	lr =	simm.s32 $0x1  }
0x2: {  	[smem:$0x3F9C] =	sst lr;
	_ =	strace $0xD0000000  }
0x3: {  	_ = 	snop  }
0x4: {  	_ = 	snop  }
0x5: {  	_ = 	snop  }
0x6: {  	_ = 	snop  }
0x7: {  	_ = 	snop  }
__scs_overlays_trampoline_lowered:
0x8: {  	[smem:$0x3FAB] =	sst s0  }
0x9: {  	[smem:$0x3FAC] =	sst s1  }
0xa: {  	[smem:$0x3FAD] =	sst s2  }
0xb: {  	[smem:$0x3FAE] =	sst s3  }
0xc: {  	[smem:$0x3FAF] =	sst s4  }
0xd: {  	[smem:$0x3FB0] =	sst s5  }
0xe: {  	[smem:$0x3FB1] =	sst s6  }
0xf: {  	[smem:$0x3FB2] =	sst s7  }
0x10: {  	[smem:$0x3FB3] =	sst s8  }
0x11: {  	[smem:$0x3FB4] =	sst s9;
	s0 =	simm.s32 @!p0 $0x0  }
0x12: {  	s1 =	sld [smem:$0x3F9A];
	s0 =	simm.s32 @p0 $0x1  }
0x13: {  	[smem:$0x3FB5] =	sst s0;
	s0 =	simm.s32 @!p1 $0x0  }
0x14: {  	s2 =	sld [smem:$0x3F99];
	s0 =	simm.s32 @p1 $0x1  }
0x15: {  	[smem:$0x3FB6] =	sst s0;
	s0 =	simm.s32 @!p2 $0x0  }
0x16: {  	s3 =	sld [smem:$0x3FDB];
	s0 =	simm.s32 @p2 $0x1  }
0x17: {  	s4 =	simm.s32 $0x1BF5;
	[smem:$0x3FB8] =	sst s0  }
0x18: {  	s0 =	sld [smem:$0x3F9B];
	_ =	swait.ge [sflag:s4], $0x0  }
0x19: {  	s7 =	sld [smem:$0x3F9C]  }
0x1a: {  	s8 =	sadd.s32 $0xFFFFE003, lr  }
0x1b: {  	s9 =	sadd.s32 $0xFFFFFEF7, lr;
	s5 =	simm.s32 $0xFFFFFFFF;
	p2 =	slt.u32 s8, $0xFFFFF086  }
0x1c: {  	p1 =	slt.u32 s9, $0xF7A;
	s5 =	simm.s32 @!p2 $0x0  }
0x1d: {  	s5 =	simm.s32 @p1 $0x1;
	p0 =	seq.s32 s7, s2  }
0x1e: {  	s7 =	smul.u32 @!p0 $0xF7A, s2;
	p2 =	seq.s32 @!p0 s5, $0x0  }
0x1f: {  	s9 =	smul.u32 $0xF7A, s1;
	s8 =	simm.s32 @!p0 $0x1BF5;
	p2 =	por !p2, p0  }
0x20: {  	[sflag:s8] =	ssyncset.s32 @!p0 $0xFFFFF086;
	s6 =	sadd.s32 @!p0 s3, s7;
	s7 =	simm.s32 @!p0 $0x108  }
0x21: {  	s3 =	sadd.s32 s3, s9;
	s6 =	sadd.s32 @!p0 $0x88, s6;
	s7 =	simm.s32 @p2 $0x1082  }
0x22: {  	[simem:s7], [sflag:s8] =	dma.local @!p0 [hbm:s6], $0xF7A  }
0x23: {  	s9 =	sor.u32 $0xD0000000, s2;
	s6 =	simm.s32 $0x108;
	_ =	swait.ge @!p0 [sflag:s8], $0x0  }
0x24: {  	s3 =	sadd.s32 $0x88, s3;
	s6 =	simm.s32 @!p1 $0x1082;
	[sflag:s4] =	ssyncset.s32 $0xFFFFF086  }
0x25: {  	[simem:s6], [sflag:s4] =	dma.local [hbm:s3], $0xF7A  }
0x26: {  	[smem:$0x3F9C] =	sst s1;
	(tag) =	ssettag s2;
	_ =	strace s9  }
0x27: {  	s1 =	sld [smem:$0x3FAC]  }
0x28: {  	s2 =	sld [smem:$0x3FAD]  }
0x29: {  	s4 =	sld [smem:$0x3FAF]  }
0x2a: {  	p0 =	seq.s32 s5, $0x0;
	s5 =	sld [smem:$0x3FB0]  }
0x2b: {  	s6 =	sld [smem:$0x3FB1]  }
0x2c: {  	s7 =	sld [smem:$0x3FB2]  }
0x2d: {  	s3 =	simm.s32 $0x108;
	s8 =	sld [smem:$0x3FB3]  }
0x2e: {  	s3 =	simm.s32 @!p0 $0x1082;
	s9 =	sld [smem:$0x3FB4]  }
0x2f: {  	lr =	sadd.s32 s0, s3;
	s0 =	sld [smem:$0x3FAB]  }
0x30: {  	s3 =	sld [smem:$0x3FAE]  }
0x31: {  	[smem:$0x3FB7] =	sst s10  }
0x32: {  	s10 =	sld [smem:$0x3FB5];
	_ =	sdelay $0x3  }
0x33: {  	p0 =	seq.s32 s10, $0x1;
	s10 =	sld [smem:$0x3FB7];
	_ =	sdelay $0x3  }
0x34: {  	[smem:$0x3FB7] =	sst s10  }
0x35: {  	s10 =	sld [smem:$0x3FB6];
	_ =	sdelay $0x3  }
0x36: {  	p1 =	seq.s32 s10, $0x1;
	s10 =	sld [smem:$0x3FB7];
	_ =	sdelay $0x3  }
0x37: {  	[smem:$0x3FB7] =	sst s10  }
0x38: {  	s10 =	sld [smem:$0x3FB8]  }
0x39: {  	_ = 	snop;
	(pc) =	sbr.ind lr, $3  }
0x3a: {  	_ = 	snop  }
0x3b: {  	_ = 	snop  }
0x3c: {  	p2 =	seq.s32 s10, $0x1;
	s10 =	sld [smem:$0x3FB7]  }
0x3d: {  	_ =	shalt  }
0x3e: {  	_ =	shalt  }
0x3f: {  	_ =	shalt  }
0x40: {  	_ =	shalt  }
0x41: {  	_ =	shalt  }
0x42: {  	_ =	shalt  }
0x43: {  	_ =	shalt  }
0x44: {  	_ =	shalt  }
0x45: {  	_ =	shalt  }
0x46: {  	_ =	shalt  }
0x47: {  	_ =	shalt  }
0x48: {  	_ =	shalt  }
0x49: {  	_ =	shalt  }
0x4a: {  	_ =	shalt  }
0x4b: {  	_ =	shalt  }
0x4c: {  	_ =	shalt  }
0x4d: {  	_ =	shalt  }
0x4e: {  	_ =	shalt  }
0x4f: {  	_ =	shalt  }
0x50: {  	_ =	shalt  }
0x51: {  	_ =	shalt  }
0x52: {  	_ =	shalt  }
0x53: {  	_ =	shalt  }
0x54: {  	_ =	shalt  }
0x55: {  	_ =	shalt  }
0x56: {  	_ =	shalt  }
0x57: {  	_ =	shalt  }
0x58: {  	_ =	shalt  }
0x59: {  	_ =	shalt  }
0x5a: {  	_ =	shalt  }
0x5b: {  	_ =	shalt  }
0x5c: {  	_ =	shalt  }
0x5d: {  	_ =	shalt  }
0x5e: {  	_ =	shalt  }
0x5f: {  	_ =	shalt  }
0x60: {  	_ =	shalt  }
0x61: {  	_ =	shalt  }
0x62: {  	_ =	shalt  }
0x63: {  	_ =	shalt  }
0x64: {  	_ =	shalt  }
0x65: {  	_ =	shalt  }
0x66: {  	_ =	shalt  }
0x67: {  	_ =	shalt  }
0x68: {  	_ =	shalt  }
0x69: {  	_ =	shalt  }
0x6a: {  	_ =	shalt  }
0x6b: {  	_ =	shalt  }
0x6c: {  	_ =	shalt  }
0x6d: {  	_ =	shalt  }
0x6e: {  	_ =	shalt  }
0x6f: {  	_ =	shalt  }
0x70: {  	_ =	shalt  }
0x71: {  	_ =	shalt  }
0x72: {  	_ =	shalt  }
0x73: {  	_ =	shalt  }
0x74: {  	_ =	shalt  }
0x75: {  	_ =	shalt  }
0x76: {  	_ =	shalt  }
0x77: {  	_ =	shalt  }
0x78: {  	_ =	shalt  }
0x79: {  	_ =	shalt  }
0x7a: {  	_ =	shalt  }
0x7b: {  	_ =	shalt  }
0x7c: {  	_ =	shalt  }
0x7d: {  	_ =	shalt  }
0x7e: {  	_ =	shalt  }
0x7f: {  	_ =	shalt  }
0x80: {  	_ =	shalt  }
0x81: {  	_ =	shalt  }
0x82: {  	_ =	shalt  }
0x83: {  	_ =	shalt  }
0x84: {  	_ =	shalt  }
0x85: {  	_ =	shalt  }
0x86: {  	_ =	shalt  }
0x87: {  	_ =	shalt  }
.Lfunc_end0:
.L_simem_size_0:
called_computation_lowered:
.L_overlay_start_0:
0x88: {  	s2 =	sld [smem:$0x3FD9]  }
0x89: {  	s3 =	sld [smem:$0x3FFE];
	_ =	sdelay $0x1  }
0x8a: {  	s1 =	srdreg.scid  }
0x8b: {  	s0 =	sand.u32 $0x1, s1  }
0x8c: {  	s18 =	sshll.u32 s0, $0xA;
	s2 =	sadd.s32 s3, s2  }
0x8d: {  	s2 =	sadd.s32 s2, s18  }
0x8e: {  	[smem:$0x3FC3] =	sst s2  }
0x8f: {  	_ = 	snop  }
0x90: {  	s2 =	sld [smem:$0x3FC9]  }
0x91: {  	s19 =	sld [smem:$0x3FC8]  }
0x92: {  	s4 =	sld [smem:$0x3FD0];
	(tm) =	ssettm $0x1  }
0x93: {  	s5 =	sld [smem:$0x3FFB];
	_ =	sdelay $0x3  }
0x94: {  	_ =	strace s5  }
0x95: {  	s5 =	sld [smem:$0x3FFC];
	_ =	sdelay $0x3  }
0x96: {  	_ =	strace s5  }
0x97: {  	s5 =	sld [smem:$0x3FFD];
	_ =	sdelay $0x3  }
0x98: {  	_ =	strace s5  }
0x99: {  	_ =	strace $0x8FFFFFFF  }
0x9a: {  	s20 =	sld [smem:$0x3FDB];
	_ =	sdelay $0x1  }
0x9b: {  	s6 =	simm.s32 $_scs_section_size  }
0x9c: {  	s7 =	simm.s32 $_size__tile_overlayer_lowered;
	s8 =	simm.s32 $_tile_overlayer_lowered  }
0x9d: {  	s23 =	simm.s32 $0x1BFF;
	s22 =	sshll.u32 s8, $0x1;
	s5 =	sadd.s32 s6, s20  }
0x9e: {  	s9 =	simm.s32 $0x0;
	s21 =	sshll.u32 s7, $0x1;
	s7 =	sadd.s32 s22, s5  }
0x9f: {  	[timem:s9], [sflag:s23] =	dma.local [hbm:s7], s21  }
0xa0: {  	_ =	swait.ge [sflag:s23], s21  }
0xa1: {  	s6 =	ssub.s32 $0x0, s21;
	[sflag:s23] =	ssyncset.done $0x0  }
0xa2: {  	[sflag:s23] =	ssyncadd.s32 s6;
	_ =	sdelay $0x1  }
0xa3: {  	s24 =	simm.s32 $0x1B8B  }
0xa4: {  	_ =	swait.ge [sflag:s24], $0x1  }
0xa5: {  	[sflag:s24] =	ssyncset.done $0x0  }
0xa6: {  	s25 =	simm.s32 $0x1B8E;
	[sflag:s24] =	ssyncadd.s32 $0xFFFFFFFF  }
0xa7: {  	s26 =	simm.s32 $execute0_lowered;
	[smem:$0x3FD2] =	sst s25  }
0xa8: {  	s6 =	sshll.u32 s26, $0x1;
	_ =	strace $0x80000046;
	[dreg:$0x1] =	wrdreg $0xFFFFFFFF  }
0xa9: {  	s28 =	simm.s32 $_size_execute0_lowered;
	s5 =	sadd.s32 s5, s6;
	[dreg:$0x0] =	wrdreg $0x0  }
0xaa: {  	s6 =	sshll.u32 s28, $0x1;
	[dreg:$0x2] =	wrdreg s5  }
0xab: {  	[dreg:$0x3] =	wrdreg s6  }
0xac: {  	[dreg:$0x4] =	wrdreg $0xC0  }
0xad: {  	_ =	task [dreg:s9], $0x5FFFF  }
0xae: {  	[dreg:$0x1] =	wrdreg $0xFFFFFFFF  }
0xaf: {  	[dreg:$0x0] =	wrdreg $0x60  }
0xb0: {  	[dreg:$0x2] =	wrdreg s2  }
0xb1: {  	[dreg:$0x3] =	wrdreg s19  }
0xb2: {  	[dreg:$0x4] =	wrdreg s4  }
0xb3: {  	[dreg:$0x5] =	wrdreg $0x9  }
0xb4: {  	_ =	task.clear_ibuf [dreg:s9], $0x6FFFF;
	_ =	strace $0x90000046  }
0xb5: {  	s29 =	simm.s32 $0x9;
	_ =	strace $0x80000048  }
0xb6: {  	_ =	swait.ge [sflag:s29], $0x1  }
0xb7: {  	[sflag:s29] =	ssyncadd.s32 $0xFFFFFFFF  }
0xb8: {  	_ =	strace $0x90000048  }
0xb9: {  	_ =	sfence  }
0xba: {  	s30 =	sld [smem:$0x0];
	_ =	sdelay $0x2  }
0xbb: {  	s31 =	sshll.u32 s1, $0xD;
	s1 =	sshrl.u32 s1, $0x2  }
0xbc: {  	s3 =	sand.u32 $0x4000, s31;
	s1 =	sadd.s32 s1, s30  }
0xbd: {  	s0 =	sor.u32 s3, s0;
	s1 =	sshll.u32 s1, $0x11  }
0xbe: {  	s0 =	sor.u32 s1, s0  }
0xbf: {  	s0 =	sadd.s32 $0x8F2B, s0  }
0xc0: {  	[sflag:s0] =	ssyncadd.remote.s32 $0x1  }
0xc1: {  	_ =	sfence.sel $0xFFFF  }
0xc2: {  	[dreg:$0x0] =	wrdreg $0xFFFFFFFF;
	(pc) =	sbr.abs _section_cstart, $3  }
0xc3: {  	[dreg:$0x1] =	wrdreg $0xFFFFFFFF  }
0xc4: {  	_ =	task.clear_ibuf [dreg:s9], $0x2FFFF;
	_ =	strace $0x9FFFFFFF  }
0xc5: {  	(tm) =	ssettm $0x7FFFFFFF  }
tec
execute0_lowered:
.L_overlay_start_1:
0x0: {  	(tag) =	ssettag $0x1  }
0x1: {  	s4 =	rddreg [dreg:$0x0]  }
0x2: {  	s1 =	srdreg.scid;
	s2 =	rddreg [dreg:$0x1]  }
0x3: {  	s0 =	stileid.u32;
	s6 =	rddreg [dreg:$0x2];
	s10 =	simm.s32 $0x400  }
0x4: {  	s11 =	simm.s32 $0x1;
	s12 =	simm.s32 $0x2800;
	s13 =	simm.s32 $0x0  }
0x5: {  	s5 =	sand.u32 $0x1, s1;
	s30 =	sshll.u32 s0, $0x9;
	s31 =	sshll.u32 s0, $0xC  }
0x6: {  	s1 =	rddreg [dreg:$0x3];
	s3 =	sshll.u32 s5, $0x8;
	s5 =	ssub.s32 $0x2, s5  }
0x7: {  	s7 =	sor.u32 s3, s30;
	s3 =	simm.s32 $0x0;
	s9 =	sshrl.u32 s5, $0x1  }
0x8: {  	s8 =	sor.u32 s31, s7;
	[smem:$0x7FF] =	sst s3;
	s9 =	ssub.s32 s5, s9  }
0x9: {  	s5 =	sadd.s32 s6, s7;
	s7 =	simm.s32 $0x800;
	s8 =	sand.u32 $0xE300, s8  }
0xa: {  	_ =	strace $0x80000047;
	s6 =	smax.u32 s9, $0x1;
	s8 =	sshrl.u32 s8, $0x3  }
0xb: {  	s9 =	simm.s32 $0x100;
	s4 =	sadd.s32 s4, s8;
	s8 =	simm.s32 $0x2  }
.LBB2_1:
0xc: {  	[tilespmem:s7], [sflag:$0x2] =	stream.linear.gather [hbm4b:s2+s3], $0x2000, $0x38;
	[tilespmem:$0x3000] =	vst v63  }
0xd: {  	_ =	swait.ge [sflag:s8], $0x2000  }
0xe: {  	[sflag:s8] =	ssyncset.done $0x0  }
0xf: {  	[sflag:s8] =	ssyncadd.s32 $0xFFFFE000  }
0x10: {  	[tilespmem:s3], [sflag:$0x1] =	stream.strided.gather [hbm4b:s4+s9], $0x800, s10, s9, $0x38;
	[tilespmem:$0x3000] =	vst v63  }
0x11: {  	_ =	swait.ge [sflag:s11], $0x800  }
0x12: {  	[sflag:s11] =	ssyncset.done $0x0  }
0x13: {  	p1 =	por $0x1, $0x1;
	s15 =	simm.s32 $0x0;
	[sflag:s11] =	ssyncadd.s32 $0xFFFFF800  }
.LBB2_2:
0x14: {  	s14 =	sshll.u32 s15, $0x7;
	s16 =	simm.s32 $0x0  }
0x15: {  	s17 =	simm.s32 $0x0;
	s18 =	simm.s32 $0x0;
	s14 =	sand.u32 $0x3FFFFF80, s14  }
0x16: {  	s16 =	sand.u32 $0x70, s16;
	s18 =	sand.u32 $0xFFFFFF00, s18;
	s17 =	sand.u32 $0x3FFFFC00, s17  }
0x17: {  	s18 =	sadd.s32 s18, s14;
	s17 =	sor.u32 s16, s17  }
0x18: {  	s16 =	sadd.s32 s16, s18;
	v2 =	vld [tilespmem:s17+$0x800]  }
0x19: {  	v3 =	vld [tilespmem:s16+$0x0];
	_ =	sdelay $0x1  }
0x1a: {  	s30 =	simm.s32 $0x80;
	s31 =	simm.s32 $0x20;
	s16 =	simm.s32 $0x10  }
0x1b: {  	s18 =	sand.u32 $0xFFFFFF00, s31;
	s17 =	sand.u32 $0x3FFFFC00, s30;
	s19 =	sand.u32 $0x70, s16  }
0x1c: {  	s18 =	sadd.s32 s18, s14;
	s17 =	sor.u32 s19, s17  }
0x1d: {  	s18 =	sadd.s32 s19, s18;
	v0 =	vld [tilespmem:s17+$0x800];
	v3 =	vmul.f32 v2, v3  }
0x1e: {  	p0 =	por p1, p1;
	v1 =	vimm.f32 $0.0e+00;
	s17 =	simm.s32 $0x2;
	v2 =	vld [tilespmem:s18+$0x0]  }
.LBB2_3:
0x1f: {  	s18 =	sshll.u32 s17, $0x7;
	p1 =	sne.s32 s17, $0x3F;
	s17 =	sadd.s32 $0x1, s17;
	v1 =	vadd.f32 v3, v1  }
.Ltmp0:
0x20: {  	s16 =	sadd.s32 $0x10, s16;
	s19 =	sshra.s32 s18, $0x2;
	(pc) =	sbr.rel @p1 .LBB2_3-.Ltmp0, $4  }
0x21: {  	s20 =	sand.u32 $0x70, s16;
	s18 =	sand.u32 $0x3FFFFC00, s18;
	s19 =	sand.u32 $0xFFFFFF00, s19  }
0x22: {  	s18 =	sor.u32 s20, s18;
	s19 =	sadd.s32 s19, s14  }
0x23: {  	s19 =	sadd.s32 s20, s19;
	v3 =	vmul.f32 v0, v2;
	v0 =	vld [tilespmem:s18+$0x800]  }
0x24: {  	v2 =	vld [tilespmem:s19+$0x0]  }
0x25: {  	_ =	sdelay $0x3  }
0x26: {  	v1 =	vadd.f32 v3, v1;
	v0 =	vmul.f32 v0, v2  }
0x27: {  	s15 =	sshll.u32 s15, $0xA;
	s16 =	simm.s32 $0x0  }
0x28: {  	s17 =	simm.s32 $0x0;
	s18 =	simm.s32 $0x0;
	s15 =	sand.u32 $0x3FFFFC00, s15;
	v0 =	vadd.f32 v0, v1  }
0x29: {  	s16 =	sand.u32 $0x70, s16;
	s18 =	sand.u32 $0xFFFFFF00, s18;
	s17 =	sand.u32 $0x3FFFFC00, s17  }
0x2a: {  	s18 =	sadd.s32 s18, s14;
	s17 =	sor.u32 s16, s17;
	[tilespmem:s15+$0x2800] =	vst v0  }
0x2b: {  	s16 =	sadd.s32 s16, s18;
	v2 =	vld [tilespmem:s17+$0x880]  }
0x2c: {  	v3 =	vld [tilespmem:s16+$0x0];
	_ =	sdelay $0x1  }
0x2d: {  	s30 =	simm.s32 $0x80;
	s31 =	simm.s32 $0x20;
	s16 =	simm.s32 $0x10  }
0x2e: {  	s18 =	sand.u32 $0xFFFFFF00, s31;
	s17 =	sand.u32 $0x3FFFFC00, s30;
	s19 =	sand.u32 $0x70, s16  }
0x2f: {  	s18 =	sadd.s32 s18, s14;
	s17 =	sor.u32 s19, s17  }
0x30: {  	s18 =	sadd.s32 s19, s18;
	v0 =	vld [tilespmem:s17+$0x880];
	v3 =	vmul.f32 v2, v3  }
0x31: {  	v1 =	vimm.f32 $0.0e+00;
	s17 =	simm.s32 $0x2;
	v2 =	vld [tilespmem:s18+$0x0]  }
.LBB2_5:
0x32: {  	s18 =	sshll.u32 s17, $0x7;
	p1 =	sne.s32 s17, $0x3F;
	s17 =	sadd.s32 $0x1, s17;
	v1 =	vadd.f32 v3, v1  }
.Ltmp1:
0x33: {  	s16 =	sadd.s32 $0x10, s16;
	s19 =	sshra.s32 s18, $0x2;
	(pc) =	sbr.rel @p1 .LBB2_5-.Ltmp1, $4  }
0x34: {  	s20 =	sand.u32 $0x70, s16;
	s18 =	sand.u32 $0x3FFFFC00, s18;
	s19 =	sand.u32 $0xFFFFFF00, s19  }
0x35: {  	s18 =	sor.u32 s20, s18;
	s19 =	sadd.s32 s19, s14  }
0x36: {  	s19 =	sadd.s32 s20, s19;
	v3 =	vmul.f32 v0, v2;
	v0 =	vld [tilespmem:s18+$0x880]  }
0x37: {  	v2 =	vld [tilespmem:s19+$0x0]  }
0x38: {  	_ =	sdelay $0x3  }
0x39: {  	v1 =	vadd.f32 v3, v1;
	v0 =	vmul.f32 v0, v2;
	_ =	sdelay $0x1  }
0x3a: {  	s16 =	simm.s32 $0x0;
	s17 =	simm.s32 $0x0;
	s18 =	simm.s32 $0x0;
	v0 =	vadd.f32 v0, v1  }
0x3b: {  	s16 =	sand.u32 $0x70, s16;
	s18 =	sand.u32 $0xFFFFFF00, s18;
	s17 =	sand.u32 $0x3FFFFC00, s17  }
0x3c: {  	s18 =	sadd.s32 s18, s14;
	s17 =	sor.u32 s16, s17;
	[tilespmem:s15+$0x2880] =	vst v0  }
0x3d: {  	s16 =	sadd.s32 s16, s18;
	v2 =	vld [tilespmem:s17+$0x900]  }
0x3e: {  	v3 =	vld [tilespmem:s16+$0x0];
	_ =	sdelay $0x1  }
0x3f: {  	s30 =	simm.s32 $0x80;
	s31 =	simm.s32 $0x20;
	s16 =	simm.s32 $0x10  }
0x40: {  	s18 =	sand.u32 $0xFFFFFF00, s31;
	s17 =	sand.u32 $0x3FFFFC00, s30;
	s19 =	sand.u32 $0x70, s16  }
0x41: {  	s18 =	sadd.s32 s18, s14;
	s17 =	sor.u32 s19, s17  }
0x42: {  	s18 =	sadd.s32 s19, s18;
	v0 =	vld [tilespmem:s17+$0x900];
	v3 =	vmul.f32 v2, v3  }
0x43: {  	v1 =	vimm.f32 $0.0e+00;
	s17 =	simm.s32 $0x2;
	v2 =	vld [tilespmem:s18+$0x0]  }
.LBB2_7:
0x44: {  	s18 =	sshll.u32 s17, $0x7;
	p1 =	sne.s32 s17, $0x3F;
	s17 =	sadd.s32 $0x1, s17;
	v1 =	vadd.f32 v3, v1  }
.Ltmp2:
0x45: {  	s16 =	sadd.s32 $0x10, s16;
	s19 =	sshra.s32 s18, $0x2;
	(pc) =	sbr.rel @p1 .LBB2_7-.Ltmp2, $4  }
0x46: {  	s20 =	sand.u32 $0x70, s16;
	s18 =	sand.u32 $0x3FFFFC00, s18;
	s19 =	sand.u32 $0xFFFFFF00, s19  }
0x47: {  	s18 =	sor.u32 s20, s18;
	s19 =	sadd.s32 s19, s14  }
0x48: {  	s19 =	sadd.s32 s20, s19;
	v3 =	vmul.f32 v0, v2;
	v0 =	vld [tilespmem:s18+$0x900]  }
0x49: {  	v2 =	vld [tilespmem:s19+$0x0]  }
0x4a: {  	_ =	sdelay $0x3  }
0x4b: {  	v1 =	vadd.f32 v3, v1;
	v0 =	vmul.f32 v0, v2;
	_ =	sdelay $0x1  }
0x4c: {  	s16 =	simm.s32 $0x0;
	s17 =	simm.s32 $0x0;
	s18 =	simm.s32 $0x0;
	v0 =	vadd.f32 v0, v1  }
0x4d: {  	s16 =	sand.u32 $0x70, s16;
	s18 =	sand.u32 $0xFFFFFF00, s18;
	s17 =	sand.u32 $0x3FFFFC00, s17  }
0x4e: {  	s18 =	sadd.s32 s18, s14;
	s17 =	sor.u32 s16, s17;
	[tilespmem:s15+$0x2900] =	vst v0  }
0x4f: {  	s16 =	sadd.s32 s16, s18;
	v2 =	vld [tilespmem:s17+$0x980]  }
0x50: {  	v3 =	vld [tilespmem:s16+$0x0];
	_ =	sdelay $0x1  }
0x51: {  	s30 =	simm.s32 $0x80;
	s31 =	simm.s32 $0x20;
	s16 =	simm.s32 $0x10  }
0x52: {  	s18 =	sand.u32 $0xFFFFFF00, s31;
	s17 =	sand.u32 $0x3FFFFC00, s30;
	s19 =	sand.u32 $0x70, s16  }
0x53: {  	s18 =	sadd.s32 s18, s14;
	s17 =	sor.u32 s19, s17  }
0x54: {  	s18 =	sadd.s32 s19, s18;
	v0 =	vld [tilespmem:s17+$0x980];
	v3 =	vmul.f32 v2, v3  }
0x55: {  	v1 =	vimm.f32 $0.0e+00;
	s17 =	simm.s32 $0x2;
	v2 =	vld [tilespmem:s18+$0x0]  }
.LBB2_9:
0x56: {  	s18 =	sshll.u32 s17, $0x7;
	p1 =	sne.s32 s17, $0x3F;
	s17 =	sadd.s32 $0x1, s17;
	v1 =	vadd.f32 v3, v1  }
.Ltmp3:
0x57: {  	s16 =	sadd.s32 $0x10, s16;
	s19 =	sshra.s32 s18, $0x2;
	(pc) =	sbr.rel @p1 .LBB2_9-.Ltmp3, $4  }
0x58: {  	s20 =	sand.u32 $0x70, s16;
	s18 =	sand.u32 $0x3FFFFC00, s18;
	s19 =	sand.u32 $0xFFFFFF00, s19  }
0x59: {  	s18 =	sor.u32 s20, s18;
	s19 =	sadd.s32 s19, s14  }
0x5a: {  	s19 =	sadd.s32 s20, s19;
	v3 =	vmul.f32 v0, v2;
	v0 =	vld [tilespmem:s18+$0x980]  }
0x5b: {  	v2 =	vld [tilespmem:s19+$0x0]  }
0x5c: {  	_ =	sdelay $0x3  }
0x5d: {  	v1 =	vadd.f32 v3, v1;
	v0 =	vmul.f32 v0, v2;
	_ =	sdelay $0x1  }
0x5e: {  	s16 =	simm.s32 $0x0;
	s17 =	simm.s32 $0x0;
	s18 =	simm.s32 $0x0;
	v0 =	vadd.f32 v0, v1  }
0x5f: {  	s16 =	sand.u32 $0x70, s16;
	s18 =	sand.u32 $0xFFFFFF00, s18;
	s17 =	sand.u32 $0x3FFFFC00, s17  }
0x60: {  	s18 =	sadd.s32 s18, s14;
	s17 =	sor.u32 s16, s17;
	[tilespmem:s15+$0x2980] =	vst v0  }
0x61: {  	s16 =	sadd.s32 s16, s18;
	v2 =	vld [tilespmem:s17+$0xA00]  }
0x62: {  	v3 =	vld [tilespmem:s16+$0x0];
	_ =	sdelay $0x1  }
0x63: {  	s30 =	simm.s32 $0x80;
	s31 =	simm.s32 $0x20;
	s16 =	simm.s32 $0x10  }
0x64: {  	s18 =	sand.u32 $0xFFFFFF00, s31;
	s17 =	sand.u32 $0x3FFFFC00, s30;
	s19 =	sand.u32 $0x70, s16  }
0x65: {  	s18 =	sadd.s32 s18, s14;
	s17 =	sor.u32 s19, s17  }
0x66: {  	s18 =	sadd.s32 s19, s18;
	v0 =	vld [tilespmem:s17+$0xA00];
	v3 =	vmul.f32 v2, v3  }
0x67: {  	v1 =	vimm.f32 $0.0e+00;
	s17 =	simm.s32 $0x2;
	v2 =	vld [tilespmem:s18+$0x0]  }
.LBB2_11:
0x68: {  	s18 =	sshll.u32 s17, $0x7;
	p1 =	sne.s32 s17, $0x3F;
	s17 =	sadd.s32 $0x1, s17;
	v1 =	vadd.f32 v3, v1  }
.Ltmp4:
0x69: {  	s16 =	sadd.s32 $0x10, s16;
	s19 =	sshra.s32 s18, $0x2;
	(pc) =	sbr.rel @p1 .LBB2_11-.Ltmp4, $4  }
0x6a: {  	s20 =	sand.u32 $0x70, s16;
	s18 =	sand.u32 $0x3FFFFC00, s18;
	s19 =	sand.u32 $0xFFFFFF00, s19  }
0x6b: {  	s18 =	sor.u32 s20, s18;
	s19 =	sadd.s32 s19, s14  }
0x6c: {  	s19 =	sadd.s32 s20, s19;
	v3 =	vmul.f32 v0, v2;
	v0 =	vld [tilespmem:s18+$0xA00]  }
0x6d: {  	v2 =	vld [tilespmem:s19+$0x0]  }
0x6e: {  	_ =	sdelay $0x3  }
0x6f: {  	v1 =	vadd.f32 v3, v1;
	v0 =	vmul.f32 v0, v2;
	_ =	sdelay $0x1  }
0x70: {  	s16 =	simm.s32 $0x0;
	s17 =	simm.s32 $0x0;
	s18 =	simm.s32 $0x0;
	v0 =	vadd.f32 v0, v1  }
0x71: {  	s16 =	sand.u32 $0x70, s16;
	s18 =	sand.u32 $0xFFFFFF00, s18;
	s17 =	sand.u32 $0x3FFFFC00, s17  }
0x72: {  	s18 =	sadd.s32 s18, s14;
	s17 =	sor.u32 s16, s17;
	[tilespmem:s15+$0x2A00] =	vst v0  }
0x73: {  	s16 =	sadd.s32 s16, s18;
	v2 =	vld [tilespmem:s17+$0xA80]  }
0x74: {  	v3 =	vld [tilespmem:s16+$0x0];
	_ =	sdelay $0x1  }
0x75: {  	s30 =	simm.s32 $0x80;
	s31 =	simm.s32 $0x20;
	s16 =	simm.s32 $0x10  }
0x76: {  	s18 =	sand.u32 $0xFFFFFF00, s31;
	s17 =	sand.u32 $0x3FFFFC00, s30;
	s19 =	sand.u32 $0x70, s16  }
0x77: {  	s18 =	sadd.s32 s18, s14;
	s17 =	sor.u32 s19, s17  }
0x78: {  	s18 =	sadd.s32 s19, s18;
	v0 =	vld [tilespmem:s17+$0xA80];
	v3 =	vmul.f32 v2, v3  }
0x79: {  	v1 =	vimm.f32 $0.0e+00;
	s17 =	simm.s32 $0x2;
	v2 =	vld [tilespmem:s18+$0x0]  }
.LBB2_13:
0x7a: {  	s18 =	sshll.u32 s17, $0x7;
	p1 =	sne.s32 s17, $0x3F;
	s17 =	sadd.s32 $0x1, s17;
	v1 =	vadd.f32 v3, v1  }
.Ltmp5:
0x7b: {  	s16 =	sadd.s32 $0x10, s16;
	s19 =	sshra.s32 s18, $0x2;
	(pc) =	sbr.rel @p1 .LBB2_13-.Ltmp5, $4  }
0x7c: {  	s20 =	sand.u32 $0x70, s16;
	s18 =	sand.u32 $0x3FFFFC00, s18;
	s19 =	sand.u32 $0xFFFFFF00, s19  }
0x7d: {  	s18 =	sor.u32 s20, s18;
	s19 =	sadd.s32 s19, s14  }
0x7e: {  	s19 =	sadd.s32 s20, s19;
	v3 =	vmul.f32 v0, v2;
	v0 =	vld [tilespmem:s18+$0xA80]  }
0x7f: {  	v2 =	vld [tilespmem:s19+$0x0]  }
0x80: {  	_ =	sdelay $0x3  }
0x81: {  	v1 =	vadd.f32 v3, v1;
	v0 =	vmul.f32 v0, v2;
	_ =	sdelay $0x1  }
0x82: {  	s16 =	simm.s32 $0x0;
	s17 =	simm.s32 $0x0;
	s18 =	simm.s32 $0x0;
	v0 =	vadd.f32 v0, v1  }
0x83: {  	s16 =	sand.u32 $0x70, s16;
	s18 =	sand.u32 $0xFFFFFF00, s18;
	s17 =	sand.u32 $0x3FFFFC00, s17  }
0x84: {  	s18 =	sadd.s32 s18, s14;
	s17 =	sor.u32 s16, s17;
	[tilespmem:s15+$0x2A80] =	vst v0  }
0x85: {  	s16 =	sadd.s32 s16, s18;
	v2 =	vld [tilespmem:s17+$0xB00]  }
0x86: {  	v3 =	vld [tilespmem:s16+$0x0];
	_ =	sdelay $0x1  }
0x87: {  	s30 =	simm.s32 $0x80;
	s31 =	simm.s32 $0x20;
	s16 =	simm.s32 $0x10  }
0x88: {  	s18 =	sand.u32 $0xFFFFFF00, s31;
	s17 =	sand.u32 $0x3FFFFC00, s30;
	s19 =	sand.u32 $0x70, s16  }
0x89: {  	s18 =	sadd.s32 s18, s14;
	s17 =	sor.u32 s19, s17  }
0x8a: {  	s18 =	sadd.s32 s19, s18;
	v0 =	vld [tilespmem:s17+$0xB00];
	v3 =	vmul.f32 v2, v3  }
0x8b: {  	v1 =	vimm.f32 $0.0e+00;
	s17 =	simm.s32 $0x2;
	v2 =	vld [tilespmem:s18+$0x0]  }
.LBB2_15:
0x8c: {  	s18 =	sshll.u32 s17, $0x7;
	p1 =	sne.s32 s17, $0x3F;
	s17 =	sadd.s32 $0x1, s17;
	v1 =	vadd.f32 v3, v1  }
.Ltmp6:
0x8d: {  	s16 =	sadd.s32 $0x10, s16;
	s19 =	sshra.s32 s18, $0x2;
	(pc) =	sbr.rel @p1 .LBB2_15-.Ltmp6, $4  }
0x8e: {  	s20 =	sand.u32 $0x70, s16;
	s18 =	sand.u32 $0x3FFFFC00, s18;
	s19 =	sand.u32 $0xFFFFFF00, s19  }
0x8f: {  	s18 =	sor.u32 s20, s18;
	s19 =	sadd.s32 s19, s14  }
0x90: {  	s19 =	sadd.s32 s20, s19;
	v3 =	vmul.f32 v0, v2;
	v0 =	vld [tilespmem:s18+$0xB00]  }
0x91: {  	v2 =	vld [tilespmem:s19+$0x0]  }
0x92: {  	_ =	sdelay $0x3  }
0x93: {  	v1 =	vadd.f32 v3, v1;
	v0 =	vmul.f32 v0, v2;
	_ =	sdelay $0x1  }
0x94: {  	s16 =	simm.s32 $0x0;
	s17 =	simm.s32 $0x0;
	s18 =	simm.s32 $0x0;
	v0 =	vadd.f32 v0, v1  }
0x95: {  	s16 =	sand.u32 $0x70, s16;
	s18 =	sand.u32 $0xFFFFFF00, s18;
	s17 =	sand.u32 $0x3FFFFC00, s17  }
0x96: {  	s18 =	sadd.s32 s18, s14;
	s17 =	sor.u32 s16, s17;
	[tilespmem:s15+$0x2B00] =	vst v0  }
0x97: {  	s16 =	sadd.s32 s16, s18;
	v2 =	vld [tilespmem:s17+$0xB80]  }
0x98: {  	v3 =	vld [tilespmem:s16+$0x0];
	_ =	sdelay $0x1  }
0x99: {  	s30 =	simm.s32 $0x80;
	s31 =	simm.s32 $0x20;
	s16 =	simm.s32 $0x10  }
0x9a: {  	s18 =	sand.u32 $0xFFFFFF00, s31;
	s17 =	sand.u32 $0x3FFFFC00, s30;
	s19 =	sand.u32 $0x70, s16  }
0x9b: {  	s18 =	sadd.s32 s18, s14;
	s17 =	sor.u32 s19, s17  }
0x9c: {  	s18 =	sadd.s32 s19, s18;
	v0 =	vld [tilespmem:s17+$0xB80];
	v3 =	vmul.f32 v2, v3  }
0x9d: {  	v1 =	vimm.f32 $0.0e+00;
	s17 =	simm.s32 $0x2;
	v2 =	vld [tilespmem:s18+$0x0]  }
.LBB2_17:
0x9e: {  	s18 =	sshll.u32 s17, $0x7;
	p1 =	sne.s32 s17, $0x3F;
	s17 =	sadd.s32 $0x1, s17;
	v1 =	vadd.f32 v3, v1  }
.Ltmp7:
0x9f: {  	s16 =	sadd.s32 $0x10, s16;
	s19 =	sshra.s32 s18, $0x2;
	(pc) =	sbr.rel @p1 .LBB2_17-.Ltmp7, $4  }
0xa0: {  	s20 =	sand.u32 $0x70, s16;
	s18 =	sand.u32 $0x3FFFFC00, s18;
	s19 =	sand.u32 $0xFFFFFF00, s19  }
0xa1: {  	s18 =	sor.u32 s20, s18;
	s19 =	sadd.s32 s19, s14  }
0xa2: {  	s19 =	sadd.s32 s20, s19;
	v3 =	vmul.f32 v0, v2;
	v0 =	vld [tilespmem:s18+$0xB80]  }
0xa3: {  	v2 =	vld [tilespmem:s19+$0x0]  }
0xa4: {  	_ =	sdelay $0x3  }
.Ltmp8:
0xa5: {  	v1 =	vadd.f32 v3, v1;
	v0 =	vmul.f32 v0, v2;
	(pc) =	sbr.rel @p0 .LBB2_2-.Ltmp8, $3  }
0xa6: {  	_ = 	snop  }
0xa7: {  	v0 =	vadd.f32 v0, v1;
	_ =	sdelay $0x1  }
0xa8: {  	p1 =	por $0x0, $0x0;
	[tilespmem:s15+$0x2B80] =	vst v0;
	s15 =	simm.s32 $0x1  }
0xa9: {  	s13 =	sadd.s32 $0x1, s13  }
0xaa: {  	p0 =	sne.s32 s13, s6  }
.Ltmp9:
0xab: {  	_ = 	snop;
	(pc) =	sbr.rel @p0 .LBB2_1-.Ltmp9, $4  }
0xac: {  	[hbm4b:s5+s3] =	stream.linear.scatter [tilespmem:s12], [sflag:$0x2], $0x800, $0x38;
	[tilespmem:$0x3000] =	vst v63  }
0xad: {  	_ =	swait.ge [sflag:s8], $0x800  }
0xae: {  	[sflag:s8] =	ssyncset.done $0x0  }
0xaf: {  	[sflag:s8] =	ssyncadd.s32 $0xFFFFF800  }
0xb0: {  	_ =	sfence.sel $0x180000  }
0xb1: {  	[bflag:$0x0] =	sbarrier.arrive $0xFFFF  }
0xb2: {  	p0 =	sne.s32 s0, $0x0;
	_ =	strace $0x90000047  }
0xb3: {  	s0 =	sadd.s32 @!p0 $0x100000, s1;
	[bflag:$0x2] =	sbarrier.arrive $0xFFFF  }
0xb4: {  	[sflag:s0] =	ssyncadd.tile.s32 @!p0 $0x1;
	_ =	shalt  }
.Lfunc_end2:
_tile_overlayer_lowered:
.L_overlay_start_2:
0xb5: {  	(tag) =	ssettag $0x2  }
0xb6: {  	s0 =	rddreg [dreg:$0x0];
	s2 =	stileid.u32  }
0xb7: {  	s1 =	rddreg [dreg:$0x1];
	p0 =	sne.s32 s2, $0x0  }
0xb8: {  	s3 =	rddreg [dreg:$0x2];
	[bflag:$0x3] =	sbarrier.arrive $0xFFFF;
	s2 =	simm.s32 @!p0 $0x1C02  }
0xb9: {  	[timem:s3], [sflag:s2] =	dma.local @!p0 [hbm:s0], s1  }
0xba: {  	s0 =	simm.s32 @!p0 $0x2  }
0xbb: {  	_ =	swait.ge @!p0 [sflag:s0], s1  }
0xbc: {  	s1 =	ssub.s32 @!p0 $0x0, s1;
	[sflag:s0] =	ssyncset.done @!p0 $0x0  }
0xbd: {  	[sflag:s0] =	ssyncadd.s32 @!p0 s1  }
0xbe: {  	[bflag:$0x3] =	sbarrier.arrive $0xFFFF  }
0xbf: {  	_ =	shalt  }

</sc_bundles>
